<compile_context>
chip_gen: v7x
topology: tpu7x:2x2x1
jax: 0.10.2.dev20260603
libtpu: 0.0.44.dev20260713+nightly
codegen_flags: <defaults>
</compile_context>

<pallas_src>
import functools

import jax
import jax.numpy as jnp
from jax import lax
from jax.experimental import pallas as pl
from jax.experimental.pallas import tpu as pltpu
from jax.experimental.pallas import tpu_sc as plsc

N = 10000
D = 128
E = 320000
NUM_MASK = 5000

NC, NS = 2, 16
EPS = E // NS
CH = 112
NCHUNK = 180
EPSP = NCHUNK * CH
PAD_DST = 10000
NP = 10240
RPS = NP // NS
DEGW = 16
SHIFT = 14
DH = D // 2


def _sc_segment_sum(h2, comb3, zrow, zdeg, ones_hbm):
    mesh = plsc.VectorSubcoreMesh(core_axis_name="c", subcore_axis_name="s")

    @functools.partial(
        pl.kernel,
        out_type=(
            jax.ShapeDtypeStruct((NC, NP, DH), jnp.bfloat16),
            jax.ShapeDtypeStruct((NC, NP, DEGW), jnp.float32),
        ),
        mesh=mesh,
        scratch_types=[
            pltpu.VMEM((NCHUNK, CH), jnp.int32),
            pltpu.VMEM((NCHUNK, CH), jnp.int32),
            pltpu.VMEM((NCHUNK, CH), jnp.int32),
            pltpu.VMEM((CH, DH), jnp.bfloat16),
            pltpu.VMEM((CH, DH), jnp.bfloat16),
            pltpu.VMEM((CH, DH), jnp.bfloat16),
            pltpu.VMEM((CH, DH), jnp.bfloat16),
            pltpu.VMEM((CH, DH), jnp.bfloat16),
            pltpu.VMEM((CH, DH), jnp.bfloat16),
            pltpu.VMEM((CH, DEGW), jnp.float32),
            pltpu.VMEM_SHARED((NP, DH), jnp.bfloat16),
            pltpu.VMEM_SHARED((NP, DEGW), jnp.float32),
            pltpu.SemaphoreType.DMA,
            pltpu.SemaphoreType.DMA,
            pltpu.SemaphoreType.DMA,
            pltpu.SemaphoreType.DMA,
            pltpu.SemaphoreType.DMA,
            pltpu.SemaphoreType.DMA,
            pltpu.SemaphoreType.DMA,
            pltpu.SemaphoreType.DMA,
            pltpu.SemaphoreType.DMA,
            pltpu.SemaphoreType.DMA,
            pltpu.SemaphoreType.DMA,
            pltpu.SemaphoreType.DMA,
            pltpu.SemaphoreType.DMA,
        ],
        compiler_params=pltpu.CompilerParams(use_tc_tiling_on_sc=False),
    )
    def k(h_hbm, comb_hbm, zrow_hbm, zdeg_hbm, ones_h,
          agg_out, deg_out, comb_v, src_v, dst_v,
          r0, r1, r2, r3, r4, r5, ones_v, agg_s, deg_s,
          sg0, sg1, sg2, sg3, sg4, sg5,
          ss0, ss1, ss2, ss3, ss4, ss5, semd):
        cid = lax.axis_index("c")
        sid = lax.axis_index("s")
        row0 = sid * RPS
        pltpu.sync_copy(zrow_hbm, agg_s.at[pl.ds(row0, RPS)])
        pltpu.sync_copy(zdeg_hbm, deg_s.at[pl.ds(row0, RPS)])
        pltpu.sync_copy(comb_hbm.at[sid], comb_v)
        pltpu.sync_copy(ones_h, ones_v)

        mask_lo = (1 << SHIFT) - 1

        def unpack_row(r, carry):
            for kk in range(CH // 16):
                v = comb_v[r, pl.ds(kk * 16, 16)]
                s2 = lax.shift_left(jnp.bitwise_and(v, mask_lo), 1) + cid
                src_v[r, pl.ds(kk * 16, 16)] = s2
                dst_v[r, pl.ds(kk * 16, 16)] = lax.shift_right_logical(v, SHIFT)
            return carry

        lax.fori_loop(0, NCHUNK, unpack_row, 0)
        plsc.subcore_barrier()

        def wait_gather(buf, semx):
            pltpu.make_async_copy(h_hbm.at[src_v.at[0]], buf, semx).wait()

        def wait_scatter(buf, semx):
            pltpu.make_async_copy(buf, agg_s.at[dst_v.at[0]], semx).wait()

        def start_gather(c, buf, semx):
            pltpu.async_copy(h_hbm.at[src_v.at[c]], buf, semx)

        def start_scatter(c, buf, semx):
            pltpu.async_copy(buf, agg_s.at[dst_v.at[c]], semx, add=True)

        bufs = (r0, r1, r2, r3, r4, r5)
        gsem = (sg0, sg1, sg2, sg3, sg4, sg5)
        ssem = (ss0, ss1, ss2, ss3, ss4, ss5)
        start_gather(0, r0, sg0)
        start_gather(1, r1, sg1)
        start_gather(2, r2, sg2)

        def body(q, carry):
            for j in range(6):
                c = 6 * q + j
                j3 = (j + 3) % 6

                if j < 3:
                    @pl.when(q > 0)
                    def _():
                        wait_scatter(bufs[j3], ssem[j3])

                    start_gather(c + 3, bufs[j3], gsem[j3])
                else:
                    wait_scatter(bufs[j3], ssem[j3])

                    @pl.when(q < NCHUNK // 6 - 1)
                    def _():
                        start_gather(c + 3, bufs[j3], gsem[j3])

                wait_gather(bufs[j], gsem[j])
                start_scatter(c, bufs[j], ssem[j])

                @pl.when(cid == c % 2)
                def _():
                    pltpu.async_copy(ones_v, deg_s.at[dst_v.at[c]], semd,
                                     add=True)

            return carry

        lax.fori_loop(0, NCHUNK // 6, body, 0)
        wait_scatter(r3, ss3)
        wait_scatter(r4, ss4)
        wait_scatter(r5, ss5)

        def drain_deg(i, carry):
            pltpu.make_async_copy(ones_v, deg_s.at[dst_v.at[0]], semd).wait()
            return carry

        lax.fori_loop(0, NCHUNK // 2, drain_deg, 0)
        plsc.subcore_barrier()
        pltpu.sync_copy(agg_s.at[pl.ds(row0, RPS)],
                        agg_out.at[cid, pl.ds(row0, RPS)])
        pltpu.sync_copy(deg_s.at[pl.ds(row0, RPS)],
                        deg_out.at[cid, pl.ds(row0, RPS)])

    return k(h2, comb3, zrow, zdeg, ones_hbm)


_GRID = 10
_R = NP // _GRID


def _tc_finish(agg2, deg2, x, m2d, W, b2):

    def body(agg_ref, deg_ref, x_ref, m_ref, w_ref, b_ref, out_ref):
        i = pl.program_id(0)
        agg = jnp.concatenate([agg_ref[0], agg_ref[1]],
                              axis=1).astype(jnp.float32)
        deg = deg_ref[0, :, 0:1] + deg_ref[1, :, 0:1]
        deg = jnp.maximum(deg, 1.0)
        rec = jnp.dot(agg / deg, w_ref[...],
                      preferred_element_type=jnp.float32) + b_ref[...]
        xv = x_ref[...]
        nr = jnp.sqrt(jnp.sum(rec * rec, axis=1, keepdims=True)) + 1e-8
        nx = jnp.sqrt(jnp.sum(xv * xv, axis=1, keepdims=True)) + 1e-8
        cos = jnp.sum((rec / nr) * (xv / nx), axis=1, keepdims=True)
        t = 1.0 - cos
        part = jnp.sum(t * t * m_ref[:, 0:1])

        @pl.when(i == 0)
        def _():
            out_ref[0, 0] = 0.0

        out_ref[0, 0] += part

    out = pl.pallas_call(
        body,
        grid=(_GRID,),
        in_specs=[
            pl.BlockSpec((NC, _R, DH), lambda i: (0, i, 0)),
            pl.BlockSpec((NC, _R, DEGW), lambda i: (0, i, 0)),
            pl.BlockSpec((_R, D), lambda i: (i, 0)),
            pl.BlockSpec((_R, D), lambda i: (i, 0)),
            pl.BlockSpec((D, D), lambda i: (0, 0)),
            pl.BlockSpec((1, D), lambda i: (0, 0)),
        ],
        out_specs=pl.BlockSpec((1, 1), lambda i: (0, 0),
                               memory_space=pltpu.SMEM),
        out_shape=jax.ShapeDtypeStruct((1, 1), jnp.float32),
    )(agg2, deg2, x, m2d, W, b2)
    return out[0, 0] / float(NUM_MASK)


def kernel(x, h, edge_index, W, b, inference):
    h2 = h.reshape(2 * N, DH).astype(jnp.bfloat16)
    comb = jnp.bitwise_or(edge_index[0],
                          jnp.left_shift(edge_index[1], SHIFT))
    padrow = (PAD_DST + jnp.arange(EPSP - EPS, dtype=jnp.int32)) << SHIFT
    comb3 = jnp.concatenate(
        [comb.reshape(NS, EPS),
         jnp.broadcast_to(padrow, (NS, EPSP - EPS))], axis=1
    ).reshape(NS, NCHUNK, CH)
    zrow = jnp.zeros((RPS, DH), jnp.bfloat16)
    zdeg = jnp.zeros((RPS, DEGW), jnp.float32)
    ones_hbm = jnp.ones((CH, DEGW), jnp.float32)
    agg2, deg2 = _sc_segment_sum(h2, comb3, zrow, zdeg, ones_hbm)

    perm = jax.random.permutation(jax.random.key(42), N)
    maskf = jnp.zeros((NP,), jnp.float32).at[perm[:NUM_MASK]].set(1.0)
    m2d = jnp.broadcast_to(maskf[:, None], (NP, D))
    xpad = jnp.concatenate([x, jnp.zeros((NP - N, D), jnp.float32)], axis=0)

    loss = _tc_finish(agg2, deg2, xpad, m2d, W, b.reshape(1, D))
    return loss + 0.0 * jnp.asarray(inference, dtype=loss.dtype)

# --- scband reference (transcript-rebuilt; emitter-appended) ---
"""Pipeline reference for scband-gmaefeat-reconstruction-7404523618691 (READ-ONLY COPY).

The authoritative reference and input builder live on the scoring server;
editing this copy changes nothing except your own understanding.
"""

import jax, jax.numpy as jnp
import numpy as np

N = 10000
D = 128
E = 320000
MASK_RATE = 0.5
GAMMA = 2.0


def setup_inputs(seed: int = 0) -> dict:
    key = jax.random.key(seed)
    k1, k2, k3, k4 = jax.random.split(key, 4)
    x = jax.random.normal(k1, (N, D), dtype=jnp.float32)
    h = jax.random.normal(k2, (N, D), dtype=jnp.float32)
    edge_index = jax.random.randint(k3, (2, E), 0, N, dtype=jnp.int32)
    # decoder params: single GraphConv-style layer (mean neighbor aggregation + linear)
    W = jax.random.normal(k4, (D, D), dtype=jnp.float32) * 0.02
    b = jnp.zeros((D,), dtype=jnp.float32)
    return {"x": x, "h": h, "edge_index": edge_index, "W": W, "b": b, "inference": False}


def _decoder(h, edge_index, W, b):
    src = edge_index[0]
    dst = edge_index[1]
    msg = jnp.take(h, src, axis=0)                      # gather
    agg = jax.ops.segment_sum(msg, dst, num_segments=h.shape[0])  # scatter-add
    deg = jax.ops.segment_sum(jnp.ones((edge_index.shape[1],), dtype=h.dtype), dst,
                              num_segments=h.shape[0])
    agg = agg / jnp.clip(deg, 1.0, None)[:, None]
    return agg @ W + b


def _sce_loss(x_rec, x_init, gamma=GAMMA):
    eps = 1e-8
    xr = x_rec / (jnp.linalg.norm(x_rec, axis=-1, keepdims=True) + eps)
    xi = x_init / (jnp.linalg.norm(x_init, axis=-1, keepdims=True) + eps)
    cos = jnp.sum(xr * xi, axis=-1)
    return jnp.mean((1.0 - cos) ** gamma)


def reference(x, h, edge_index, W, b, inference=False):
    num_nodes = x.shape[0]
    num_mask_nodes = int(MASK_RATE * num_nodes)
    # torch.randperm -> deterministic jax permutation
    perm = jax.random.permutation(jax.random.key(42), num_nodes)
    mask_nodes = perm[:num_mask_nodes]
    mask_token = jnp.zeros_like(x[0])
    # scatter-overwrite of mask token into masked node rows (faithful to x_masked[mask_nodes] = mask_token)
    x_masked = x.at[mask_nodes].set(mask_token)
    recon = _decoder(h, edge_index, W, b)
    x_init = jnp.take(x, mask_nodes, axis=0)            # gather masked rows
    x_rec = jnp.take(recon, mask_nodes, axis=0)         # gather masked rows
    loss = _sce_loss(x_rec, x_init)
    loss = loss + 0.0 * jnp.asarray(inference, dtype=loss.dtype)
    return loss

if __name__ == "__main__":
    import jax
    _d = setup_inputs()
    print(jax.jit(kernel)(*tuple(_d.values())))

</pallas_src>

<mosaic_0001>
#map = affine_map<(d0, d1) -> (0, 0)>
#map1 = affine_map<(d0, d1) -> (0, 0, 0)>
module attributes {stable_mosaic.version = 14 : i64} {
  func.func @k(%arg0: i32, %arg1: i32, %arg2: memref<20000x64xbf16, #tpu.memory_space<hbm>>, %arg3: memref<16x180x112xi32, #tpu.memory_space<hbm>>, %arg4: memref<640x64xbf16, #tpu.memory_space<hbm>>, %arg5: memref<640x16xf32, #tpu.memory_space<hbm>>, %arg6: memref<112x16xf32, #tpu.memory_space<hbm>>, %arg7: memref<2x10240x64xbf16, #tpu.memory_space<hbm>>, %arg8: memref<2x10240x16xf32, #tpu.memory_space<hbm>>, %arg9: memref<180x112xi32, #tpu.memory_space<vmem>>, %arg10: memref<180x112xi32, #tpu.memory_space<vmem>>, %arg11: memref<180x112xi32, #tpu.memory_space<vmem>>, %arg12: memref<112x64xbf16, #tpu.memory_space<vmem>>, %arg13: memref<112x64xbf16, #tpu.memory_space<vmem>>, %arg14: memref<112x64xbf16, #tpu.memory_space<vmem>>, %arg15: memref<112x64xbf16, #tpu.memory_space<vmem>>, %arg16: memref<112x64xbf16, #tpu.memory_space<vmem>>, %arg17: memref<112x64xbf16, #tpu.memory_space<vmem>>, %arg18: memref<112x16xf32, #tpu.memory_space<vmem>>, %arg19: memref<10240x64xbf16, #tpu.memory_space<vmem_shared>>, %arg20: memref<10240x16xf32, #tpu.memory_space<vmem_shared>>, %arg21: memref<!tpu.dma_semaphore, #tpu.memory_space<semaphore_mem>>, %arg22: memref<!tpu.dma_semaphore, #tpu.memory_space<semaphore_mem>>, %arg23: memref<!tpu.dma_semaphore, #tpu.memory_space<semaphore_mem>>, %arg24: memref<!tpu.dma_semaphore, #tpu.memory_space<semaphore_mem>>, %arg25: memref<!tpu.dma_semaphore, #tpu.memory_space<semaphore_mem>>, %arg26: memref<!tpu.dma_semaphore, #tpu.memory_space<semaphore_mem>>, %arg27: memref<!tpu.dma_semaphore, #tpu.memory_space<semaphore_mem>>, %arg28: memref<!tpu.dma_semaphore, #tpu.memory_space<semaphore_mem>>, %arg29: memref<!tpu.dma_semaphore, #tpu.memory_space<semaphore_mem>>, %arg30: memref<!tpu.dma_semaphore, #tpu.memory_space<semaphore_mem>>, %arg31: memref<!tpu.dma_semaphore, #tpu.memory_space<semaphore_mem>>, %arg32: memref<!tpu.dma_semaphore, #tpu.memory_space<semaphore_mem>>, %arg33: memref<!tpu.dma_semaphore, #tpu.memory_space<semaphore_mem>>) attributes {dimension_semantics = [#tpu.dimension_semantics<core_parallel>, #tpu.dimension_semantics<subcore_parallel>], iteration_bounds = array<i64: 2, 16>, scalar_prefetch = 0 : i64, scratch_operands = 25 : i64, tpu.core_type = #tpu.core_type<sc_vector_subcore>, window_params = [{transform_indices = #map}, {transform_indices = #map1}, {transform_indices = #map}, {transform_indices = #map}, {transform_indices = #map}, {transform_indices = #map1}, {transform_indices = #map1}]} {
    %mul3A = arith.constant 640 : i32
    %mul3A_0 = arith.muli %arg1, %mul3A : i32
    "tpu.region"() ({
      %run_scoped3A = tpu.sem_alloc : memref<!tpu.dma_semaphore, #tpu.memory_space<semaphore_mem>>
      %dma_start3A_59 = arith.constant 0 : i32
      %dma_start3A_60 = tpu.memref_slice %arg19[%mul3A_0, %dma_start3A_59] : memref<10240x64xbf16, #tpu.memory_space<vmem_shared>> -> memref<640x64xbf16, #tpu.memory_space<vmem_shared>>
      tpu.enqueue_dma source(%arg4 : memref<640x64xbf16, #tpu.memory_space<hbm>>) target(%dma_start3A_60 : memref<640x64xbf16, #tpu.memory_space<vmem_shared>>) target_semaphore(%run_scoped3A : memref<!tpu.dma_semaphore, #tpu.memory_space<semaphore_mem>>)
      %dma_wait3A_61 = arith.constant 0 : i32
      %dma_wait3A_62 = tpu.memref_slice %arg19[%mul3A_0, %dma_wait3A_61] : memref<10240x64xbf16, #tpu.memory_space<vmem_shared>> -> memref<640x64xbf16, #tpu.memory_space<vmem_shared>>
      tpu.wait_dma2 semaphore(%run_scoped3A : memref<!tpu.dma_semaphore, #tpu.memory_space<semaphore_mem>>) src(%arg4 : memref<640x64xbf16, #tpu.memory_space<hbm>>) dst(%dma_wait3A_62 : memref<640x64xbf16, #tpu.memory_space<vmem_shared>>)
      tpu.yield
    }) : () -> ()
    "tpu.region"() ({
      %run_scoped3A = tpu.sem_alloc : memref<!tpu.dma_semaphore, #tpu.memory_space<semaphore_mem>>
      %dma_start3A_59 = arith.constant 0 : i32
      %dma_start3A_60 = tpu.memref_slice %arg20[%mul3A_0, %dma_start3A_59] : memref<10240x16xf32, #tpu.memory_space<vmem_shared>> -> memref<640x16xf32, #tpu.memory_space<vmem_shared>>
      tpu.enqueue_dma source(%arg5 : memref<640x16xf32, #tpu.memory_space<hbm>>) target(%dma_start3A_60 : memref<640x16xf32, #tpu.memory_space<vmem_shared>>) target_semaphore(%run_scoped3A : memref<!tpu.dma_semaphore, #tpu.memory_space<semaphore_mem>>)
      %dma_wait3A_61 = arith.constant 0 : i32
      %dma_wait3A_62 = tpu.memref_slice %arg20[%mul3A_0, %dma_wait3A_61] : memref<10240x16xf32, #tpu.memory_space<vmem_shared>> -> memref<640x16xf32, #tpu.memory_space<vmem_shared>>
      tpu.wait_dma2 semaphore(%run_scoped3A : memref<!tpu.dma_semaphore, #tpu.memory_space<semaphore_mem>>) src(%arg5 : memref<640x16xf32, #tpu.memory_space<hbm>>) dst(%dma_wait3A_62 : memref<640x16xf32, #tpu.memory_space<vmem_shared>>)
      tpu.yield
    }) : () -> ()
    "tpu.region"() ({
      %run_scoped3A = tpu.sem_alloc : memref<!tpu.dma_semaphore, #tpu.memory_space<semaphore_mem>>
      %dma_start3A_59 = arith.constant 0 : i32
      %dma_start3A_60 = arith.constant 0 : i32
      %dma_start3A_61 = tpu.memref_slice %arg3[%arg1, %dma_start3A_59, %dma_start3A_60] : memref<16x180x112xi32, #tpu.memory_space<hbm>> -> memref<1x180x112xi32, #tpu.memory_space<hbm>>
      %dma_start3A_62 = tpu.memref_squeeze %dma_start3A_61 : memref<1x180x112xi32, #tpu.memory_space<hbm>> -> memref<180x112xi32, #tpu.memory_space<hbm>>
      %dma_start3A_63 = arith.constant 0 : i32
      %dma_start3A_64 = arith.constant 0 : i32
      %dma_start3A_65 = tpu.memref_slice %arg3[%arg1, %dma_start3A_63, %dma_start3A_64] : memref<16x180x112xi32, #tpu.memory_space<hbm>> -> memref<1x180x112xi32, #tpu.memory_space<hbm>>
      %dma_start3A_66 = tpu.memref_squeeze %dma_start3A_65 : memref<1x180x112xi32, #tpu.memory_space<hbm>> -> memref<180x112xi32, #tpu.memory_space<hbm>>
      tpu.enqueue_dma source(%dma_start3A_66 : memref<180x112xi32, #tpu.memory_space<hbm>>) target(%arg9 : memref<180x112xi32, #tpu.memory_space<vmem>>) target_semaphore(%run_scoped3A : memref<!tpu.dma_semaphore, #tpu.memory_space<semaphore_mem>>)
      %dma_wait3A_67 = arith.constant 0 : i32
      %dma_wait3A_68 = arith.constant 0 : i32
      %dma_wait3A_69 = tpu.memref_slice %arg3[%arg1, %dma_wait3A_67, %dma_wait3A_68] : memref<16x180x112xi32, #tpu.memory_space<hbm>> -> memref<1x180x112xi32, #tpu.memory_space<hbm>>
      %dma_wait3A_70 = tpu.memref_squeeze %dma_wait3A_69 : memref<1x180x112xi32, #tpu.memory_space<hbm>> -> memref<180x112xi32, #tpu.memory_space<hbm>>
      %dma_wait3A_71 = arith.constant 0 : i32
      %dma_wait3A_72 = arith.constant 0 : i32
      %dma_wait3A_73 = tpu.memref_slice %arg3[%arg1, %dma_wait3A_71, %dma_wait3A_72] : memref<16x180x112xi32, #tpu.memory_space<hbm>> -> memref<1x180x112xi32, #tpu.memory_space<hbm>>
      %dma_wait3A_74 = tpu.memref_squeeze %dma_wait3A_73 : memref<1x180x112xi32, #tpu.memory_space<hbm>> -> memref<180x112xi32, #tpu.memory_space<hbm>>
      tpu.wait_dma2 semaphore(%run_scoped3A : memref<!tpu.dma_semaphore, #tpu.memory_space<semaphore_mem>>) src(%dma_wait3A_74 : memref<180x112xi32, #tpu.memory_space<hbm>>) dst(%arg9 : memref<180x112xi32, #tpu.memory_space<vmem>>)
      tpu.yield
    }) : () -> ()
    "tpu.region"() ({
      %run_scoped3A = tpu.sem_alloc : memref<!tpu.dma_semaphore, #tpu.memory_space<semaphore_mem>>
      tpu.enqueue_dma source(%arg6 : memref<112x16xf32, #tpu.memory_space<hbm>>) target(%arg18 : memref<112x16xf32, #tpu.memory_space<vmem>>) target_semaphore(%run_scoped3A : memref<!tpu.dma_semaphore, #tpu.memory_space<semaphore_mem>>)
      tpu.wait_dma2 semaphore(%run_scoped3A : memref<!tpu.dma_semaphore, #tpu.memory_space<semaphore_mem>>) src(%arg6 : memref<112x16xf32, #tpu.memory_space<hbm>>) dst(%arg18 : memref<112x16xf32, #tpu.memory_space<vmem>>)
      tpu.yield
    }) : () -> ()
    %scan3A = arith.constant 0 : i32
    %scan3A_1 = arith.constant 0 : i32
    %scan3A_2 = arith.constant 180 : i32
    %scan3A_3 = arith.addi %scan3A_1, %scan3A_2 : i32
    %scan3A_4 = arith.constant 1 : i32
    scf.for %scan3A_59 = %scan3A_1 to %scan3A_3 step %scan3A_4  : i32 {
      %get3A = arith.index_cast %scan3A_59 : i32 to index
      %get3A_60 = arith.constant 0 : index
      %get3A_61 = tpu.vector_load %arg9[%get3A, %get3A_60] {strides = array<i32>} : memref<180x112xi32, #tpu.memory_space<vmem>>, vector<1x16xi32>,
      %get3A_62 = vector.shape_cast %get3A_61 : vector<1x16xi32> to vector<16xi32>
      %and3A = arith.constant 16383 : i32
      %and3A_63 = vector.broadcast %and3A : i32 to vector<16xi32>
      %and3A_64 = arith.andi %get3A_62, %and3A_63 : vector<16xi32>
      %shift_left3A = arith.constant 1 : i32
      %shift_left3A_65 = vector.broadcast %shift_left3A : i32 to vector<16xi32>
      %shift_left3A_66 = arith.shli %and3A_64, %shift_left3A_65 : vector<16xi32>
      %add3A = vector.broadcast %arg0 : i32 to vector<16xi32>
      %add3A_67 = arith.addi %shift_left3A_66, %add3A : vector<16xi32>
      %swap3A = arith.index_cast %scan3A_59 : i32 to index
      %swap3A_68 = arith.constant 0 : index
      %swap3A_69 = tpu.vector_load %arg10[%swap3A, %swap3A_68] {strides = array<i32>} : memref<180x112xi32, #tpu.memory_space<vmem>>, vector<1x16xi32>,
      %swap3A_70 = vector.shape_cast %swap3A_69 : vector<1x16xi32> to vector<16xi32>
      %swap3A_71 = vector.shape_cast %add3A_67 : vector<16xi32> to vector<1x16xi32>
      tpu.vector_store %arg10[%swap3A, %swap3A_68], %swap3A_71 {strides = array<i32>} : memref<180x112xi32, #tpu.memory_space<vmem>>, vector<1x16xi32>,
      %shift_right_logical3A = arith.constant 14 : i32
      %shift_right_logical3A_72 = vector.broadcast %shift_right_logical3A : i32 to vector<16xi32>
      %shift_right_logical3A_73 = arith.shrui %get3A_62, %shift_right_logical3A_72 : vector<16xi32>
      %swap3A_74 = arith.index_cast %scan3A_59 : i32 to index
      %swap3A_75 = arith.constant 0 : index
      %swap3A_76 = tpu.vector_load %arg11[%swap3A_74, %swap3A_75] {strides = array<i32>} : memref<180x112xi32, #tpu.memory_space<vmem>>, vector<1x16xi32>,
      %swap3A_77 = vector.shape_cast %swap3A_76 : vector<1x16xi32> to vector<16xi32>
      %swap3A_78 = vector.shape_cast %shift_right_logical3A_73 : vector<16xi32> to vector<1x16xi32>
      tpu.vector_store %arg11[%swap3A_74, %swap3A_75], %swap3A_78 {strides = array<i32>} : memref<180x112xi32, #tpu.memory_space<vmem>>, vector<1x16xi32>,
      %get3A_79 = arith.index_cast %scan3A_59 : i32 to index
      %get3A_80 = arith.constant 16 : index
      %get3A_81 = tpu.vector_load %arg9[%get3A_79, %get3A_80] {strides = array<i32>} : memref<180x112xi32, #tpu.memory_space<vmem>>, vector<1x16xi32>,
      %get3A_82 = vector.shape_cast %get3A_81 : vector<1x16xi32> to vector<16xi32>
      %and3A_83 = arith.constant 16383 : i32
      %and3A_84 = vector.broadcast %and3A_83 : i32 to vector<16xi32>
      %and3A_85 = arith.andi %get3A_82, %and3A_84 : vector<16xi32>
      %shift_left3A_86 = arith.constant 1 : i32
      %shift_left3A_87 = vector.broadcast %shift_left3A_86 : i32 to vector<16xi32>
      %shift_left3A_88 = arith.shli %and3A_85, %shift_left3A_87 : vector<16xi32>
      %add3A_89 = vector.broadcast %arg0 : i32 to vector<16xi32>
      %add3A_90 = arith.addi %shift_left3A_88, %add3A_89 : vector<16xi32>
      %swap3A_91 = arith.index_cast %scan3A_59 : i32 to index
      %swap3A_92 = arith.constant 16 : index
      %swap3A_93 = tpu.vector_load %arg10[%swap3A_91, %swap3A_92] {strides = array<i32>} : memref<180x112xi32, #tpu.memory_space<vmem>>, vector<1x16xi32>,
      %swap3A_94 = vector.shape_cast %swap3A_93 : vector<1x16xi32> to vector<16xi32>
      %swap3A_95 = vector.shape_cast %add3A_90 : vector<16xi32> to vector<1x16xi32>
      tpu.vector_store %arg10[%swap3A_91, %swap3A_92], %swap3A_95 {strides = array<i32>} : memref<180x112xi32, #tpu.memory_space<vmem>>, vector<1x16xi32>,
      %shift_right_logical3A_96 = arith.constant 14 : i32
      %shift_right_logical3A_97 = vector.broadcast %shift_right_logical3A_96 : i32 to vector<16xi32>
      %shift_right_logical3A_98 = arith.shrui %get3A_82, %shift_right_logical3A_97 : vector<16xi32>
      %swap3A_99 = arith.index_cast %scan3A_59 : i32 to index
      %swap3A_100 = arith.constant 16 : index
      %swap3A_101 = tpu.vector_load %arg11[%swap3A_99, %swap3A_100] {strides = array<i32>} : memref<180x112xi32, #tpu.memory_space<vmem>>, vector<1x16xi32>,
      %swap3A_102 = vector.shape_cast %swap3A_101 : vector<1x16xi32> to vector<16xi32>
      %swap3A_103 = vector.shape_cast %shift_right_logical3A_98 : vector<16xi32> to vector<1x16xi32>
      tpu.vector_store %arg11[%swap3A_99, %swap3A_100], %swap3A_103 {strides = array<i32>} : memref<180x112xi32, #tpu.memory_space<vmem>>, vector<1x16xi32>,
      %get3A_104 = arith.index_cast %scan3A_59 : i32 to index
      %get3A_105 = arith.constant 32 : index
      %get3A_106 = tpu.vector_load %arg9[%get3A_104, %get3A_105] {strides = array<i32>} : memref<180x112xi32, #tpu.memory_space<vmem>>, vector<1x16xi32>,
      %get3A_107 = vector.shape_cast %get3A_106 : vector<1x16xi32> to vector<16xi32>
      %and3A_108 = arith.constant 16383 : i32
      %and3A_109 = vector.broadcast %and3A_108 : i32 to vector<16xi32>
      %and3A_110 = arith.andi %get3A_107, %and3A_109 : vector<16xi32>
      %shift_left3A_111 = arith.constant 1 : i32
      %shift_left3A_112 = vector.broadcast %shift_left3A_111 : i32 to vector<16xi32>
      %shift_left3A_113 = arith.shli %and3A_110, %shift_left3A_112 : vector<16xi32>
      %add3A_114 = vector.broadcast %arg0 : i32 to vector<16xi32>
      %add3A_115 = arith.addi %shift_left3A_113, %add3A_114 : vector<16xi32>
      %swap3A_116 = arith.index_cast %scan3A_59 : i32 to index
      %swap3A_117 = arith.constant 32 : index
      %swap3A_118 = tpu.vector_load %arg10[%swap3A_116, %swap3A_117] {strides = array<i32>} : memref<180x112xi32, #tpu.memory_space<vmem>>, vector<1x16xi32>,
      %swap3A_119 = vector.shape_cast %swap3A_118 : vector<1x16xi32> to vector<16xi32>
      %swap3A_120 = vector.shape_cast %add3A_115 : vector<16xi32> to vector<1x16xi32>
      tpu.vector_store %arg10[%swap3A_116, %swap3A_117], %swap3A_120 {strides = array<i32>} : memref<180x112xi32, #tpu.memory_space<vmem>>, vector<1x16xi32>,
      %shift_right_logical3A_121 = arith.constant 14 : i32
      %shift_right_logical3A_122 = vector.broadcast %shift_right_logical3A_121 : i32 to vector<16xi32>
      %shift_right_logical3A_123 = arith.shrui %get3A_107, %shift_right_logical3A_122 : vector<16xi32>
      %swap3A_124 = arith.index_cast %scan3A_59 : i32 to index
      %swap3A_125 = arith.constant 32 : index
      %swap3A_126 = tpu.vector_load %arg11[%swap3A_124, %swap3A_125] {strides = array<i32>} : memref<180x112xi32, #tpu.memory_space<vmem>>, vector<1x16xi32>,
      %swap3A_127 = vector.shape_cast %swap3A_126 : vector<1x16xi32> to vector<16xi32>
      %swap3A_128 = vector.shape_cast %shift_right_logical3A_123 : vector<16xi32> to vector<1x16xi32>
      tpu.vector_store %arg11[%swap3A_124, %swap3A_125], %swap3A_128 {strides = array<i32>} : memref<180x112xi32, #tpu.memory_space<vmem>>, vector<1x16xi32>,
      %get3A_129 = arith.index_cast %scan3A_59 : i32 to index
      %get3A_130 = arith.constant 48 : index
      %get3A_131 = tpu.vector_load %arg9[%get3A_129, %get3A_130] {strides = array<i32>} : memref<180x112xi32, #tpu.memory_space<vmem>>, vector<1x16xi32>,
      %get3A_132 = vector.shape_cast %get3A_131 : vector<1x16xi32> to vector<16xi32>
      %and3A_133 = arith.constant 16383 : i32
      %and3A_134 = vector.broadcast %and3A_133 : i32 to vector<16xi32>
      %and3A_135 = arith.andi %get3A_132, %and3A_134 : vector<16xi32>
      %shift_left3A_136 = arith.constant 1 : i32
      %shift_left3A_137 = vector.broadcast %shift_left3A_136 : i32 to vector<16xi32>
      %shift_left3A_138 = arith.shli %and3A_135, %shift_left3A_137 : vector<16xi32>
      %add3A_139 = vector.broadcast %arg0 : i32 to vector<16xi32>
      %add3A_140 = arith.addi %shift_left3A_138, %add3A_139 : vector<16xi32>
      %swap3A_141 = arith.index_cast %scan3A_59 : i32 to index
      %swap3A_142 = arith.constant 48 : index
      %swap3A_143 = tpu.vector_load %arg10[%swap3A_141, %swap3A_142] {strides = array<i32>} : memref<180x112xi32, #tpu.memory_space<vmem>>, vector<1x16xi32>,
      %swap3A_144 = vector.shape_cast %swap3A_143 : vector<1x16xi32> to vector<16xi32>
      %swap3A_145 = vector.shape_cast %add3A_140 : vector<16xi32> to vector<1x16xi32>
      tpu.vector_store %arg10[%swap3A_141, %swap3A_142], %swap3A_145 {strides = array<i32>} : memref<180x112xi32, #tpu.memory_space<vmem>>, vector<1x16xi32>,
      %shift_right_logical3A_146 = arith.constant 14 : i32
      %shift_right_logical3A_147 = vector.broadcast %shift_right_logical3A_146 : i32 to vector<16xi32>
      %shift_right_logical3A_148 = arith.shrui %get3A_132, %shift_right_logical3A_147 : vector<16xi32>
      %swap3A_149 = arith.index_cast %scan3A_59 : i32 to index
      %swap3A_150 = arith.constant 48 : index
      %swap3A_151 = tpu.vector_load %arg11[%swap3A_149, %swap3A_150] {strides = array<i32>} : memref<180x112xi32, #tpu.memory_space<vmem>>, vector<1x16xi32>,
      %swap3A_152 = vector.shape_cast %swap3A_151 : vector<1x16xi32> to vector<16xi32>
      %swap3A_153 = vector.shape_cast %shift_right_logical3A_148 : vector<16xi32> to vector<1x16xi32>
      tpu.vector_store %arg11[%swap3A_149, %swap3A_150], %swap3A_153 {strides = array<i32>} : memref<180x112xi32, #tpu.memory_space<vmem>>, vector<1x16xi32>,
      %get3A_154 = arith.index_cast %scan3A_59 : i32 to index
      %get3A_155 = arith.constant 64 : index
      %get3A_156 = tpu.vector_load %arg9[%get3A_154, %get3A_155] {strides = array<i32>} : memref<180x112xi32, #tpu.memory_space<vmem>>, vector<1x16xi32>,
      %get3A_157 = vector.shape_cast %get3A_156 : vector<1x16xi32> to vector<16xi32>
      %and3A_158 = arith.constant 16383 : i32
      %and3A_159 = vector.broadcast %and3A_158 : i32 to vector<16xi32>
      %and3A_160 = arith.andi %get3A_157, %and3A_159 : vector<16xi32>
      %shift_left3A_161 = arith.constant 1 : i32
      %shift_left3A_162 = vector.broadcast %shift_left3A_161 : i32 to vector<16xi32>
      %shift_left3A_163 = arith.shli %and3A_160, %shift_left3A_162 : vector<16xi32>
      %add3A_164 = vector.broadcast %arg0 : i32 to vector<16xi32>
      %add3A_165 = arith.addi %shift_left3A_163, %add3A_164 : vector<16xi32>
      %swap3A_166 = arith.index_cast %scan3A_59 : i32 to index
      %swap3A_167 = arith.constant 64 : index
      %swap3A_168 = tpu.vector_load %arg10[%swap3A_166, %swap3A_167] {strides = array<i32>} : memref<180x112xi32, #tpu.memory_space<vmem>>, vector<1x16xi32>,
      %swap3A_169 = vector.shape_cast %swap3A_168 : vector<1x16xi32> to vector<16xi32>
      %swap3A_170 = vector.shape_cast %add3A_165 : vector<16xi32> to vector<1x16xi32>
      tpu.vector_store %arg10[%swap3A_166, %swap3A_167], %swap3A_170 {strides = array<i32>} : memref<180x112xi32, #tpu.memory_space<vmem>>, vector<1x16xi32>,
      %shift_right_logical3A_171 = arith.constant 14 : i32
      %shift_right_logical3A_172 = vector.broadcast %shift_right_logical3A_171 : i32 to vector<16xi32>
      %shift_right_logical3A_173 = arith.shrui %get3A_157, %shift_right_logical3A_172 : vector<16xi32>
      %swap3A_174 = arith.index_cast %scan3A_59 : i32 to index
      %swap3A_175 = arith.constant 64 : index
      %swap3A_176 = tpu.vector_load %arg11[%swap3A_174, %swap3A_175] {strides = array<i32>} : memref<180x112xi32, #tpu.memory_space<vmem>>, vector<1x16xi32>,
      %swap3A_177 = vector.shape_cast %swap3A_176 : vector<1x16xi32> to vector<16xi32>
      %swap3A_178 = vector.shape_cast %shift_right_logical3A_173 : vector<16xi32> to vector<1x16xi32>
      tpu.vector_store %arg11[%swap3A_174, %swap3A_175], %swap3A_178 {strides = array<i32>} : memref<180x112xi32, #tpu.memory_space<vmem>>, vector<1x16xi32>,
      %get3A_179 = arith.index_cast %scan3A_59 : i32 to index
      %get3A_180 = arith.constant 80 : index
      %get3A_181 = tpu.vector_load %arg9[%get3A_179, %get3A_180] {strides = array<i32>} : memref<180x112xi32, #tpu.memory_space<vmem>>, vector<1x16xi32>,
      %get3A_182 = vector.shape_cast %get3A_181 : vector<1x16xi32> to vector<16xi32>
      %and3A_183 = arith.constant 16383 : i32
      %and3A_184 = vector.broadcast %and3A_183 : i32 to vector<16xi32>
      %and3A_185 = arith.andi %get3A_182, %and3A_184 : vector<16xi32>
      %shift_left3A_186 = arith.constant 1 : i32
      %shift_left3A_187 = vector.broadcast %shift_left3A_186 : i32 to vector<16xi32>
      %shift_left3A_188 = arith.shli %and3A_185, %shift_left3A_187 : vector<16xi32>
      %add3A_189 = vector.broadcast %arg0 : i32 to vector<16xi32>
      %add3A_190 = arith.addi %shift_left3A_188, %add3A_189 : vector<16xi32>
      %swap3A_191 = arith.index_cast %scan3A_59 : i32 to index
      %swap3A_192 = arith.constant 80 : index
      %swap3A_193 = tpu.vector_load %arg10[%swap3A_191, %swap3A_192] {strides = array<i32>} : memref<180x112xi32, #tpu.memory_space<vmem>>, vector<1x16xi32>,
      %swap3A_194 = vector.shape_cast %swap3A_193 : vector<1x16xi32> to vector<16xi32>
      %swap3A_195 = vector.shape_cast %add3A_190 : vector<16xi32> to vector<1x16xi32>
      tpu.vector_store %arg10[%swap3A_191, %swap3A_192], %swap3A_195 {strides = array<i32>} : memref<180x112xi32, #tpu.memory_space<vmem>>, vector<1x16xi32>,
      %shift_right_logical3A_196 = arith.constant 14 : i32
      %shift_right_logical3A_197 = vector.broadcast %shift_right_logical3A_196 : i32 to vector<16xi32>
      %shift_right_logical3A_198 = arith.shrui %get3A_182, %shift_right_logical3A_197 : vector<16xi32>
      %swap3A_199 = arith.index_cast %scan3A_59 : i32 to index
      %swap3A_200 = arith.constant 80 : index
      %swap3A_201 = tpu.vector_load %arg11[%swap3A_199, %swap3A_200] {strides = array<i32>} : memref<180x112xi32, #tpu.memory_space<vmem>>, vector<1x16xi32>,
      %swap3A_202 = vector.shape_cast %swap3A_201 : vector<1x16xi32> to vector<16xi32>
      %swap3A_203 = vector.shape_cast %shift_right_logical3A_198 : vector<16xi32> to vector<1x16xi32>
      tpu.vector_store %arg11[%swap3A_199, %swap3A_200], %swap3A_203 {strides = array<i32>} : memref<180x112xi32, #tpu.memory_space<vmem>>, vector<1x16xi32>,
      %get3A_204 = arith.index_cast %scan3A_59 : i32 to index
      %get3A_205 = arith.constant 96 : index
      %get3A_206 = tpu.vector_load %arg9[%get3A_204, %get3A_205] {strides = array<i32>} : memref<180x112xi32, #tpu.memory_space<vmem>>, vector<1x16xi32>,
      %get3A_207 = vector.shape_cast %get3A_206 : vector<1x16xi32> to vector<16xi32>
      %and3A_208 = arith.constant 16383 : i32
      %and3A_209 = vector.broadcast %and3A_208 : i32 to vector<16xi32>
      %and3A_210 = arith.andi %get3A_207, %and3A_209 : vector<16xi32>
      %shift_left3A_211 = arith.constant 1 : i32
      %shift_left3A_212 = vector.broadcast %shift_left3A_211 : i32 to vector<16xi32>
      %shift_left3A_213 = arith.shli %and3A_210, %shift_left3A_212 : vector<16xi32>
      %add3A_214 = vector.broadcast %arg0 : i32 to vector<16xi32>
      %add3A_215 = arith.addi %shift_left3A_213, %add3A_214 : vector<16xi32>
      %swap3A_216 = arith.index_cast %scan3A_59 : i32 to index
      %swap3A_217 = arith.constant 96 : index
      %swap3A_218 = tpu.vector_load %arg10[%swap3A_216, %swap3A_217] {strides = array<i32>} : memref<180x112xi32, #tpu.memory_space<vmem>>, vector<1x16xi32>,
      %swap3A_219 = vector.shape_cast %swap3A_218 : vector<1x16xi32> to vector<16xi32>
      %swap3A_220 = vector.shape_cast %add3A_215 : vector<16xi32> to vector<1x16xi32>
      tpu.vector_store %arg10[%swap3A_216, %swap3A_217], %swap3A_220 {strides = array<i32>} : memref<180x112xi32, #tpu.memory_space<vmem>>, vector<1x16xi32>,
      %shift_right_logical3A_221 = arith.constant 14 : i32
      %shift_right_logical3A_222 = vector.broadcast %shift_right_logical3A_221 : i32 to vector<16xi32>
      %shift_right_logical3A_223 = arith.shrui %get3A_207, %shift_right_logical3A_222 : vector<16xi32>
      %swap3A_224 = arith.index_cast %scan3A_59 : i32 to index
      %swap3A_225 = arith.constant 96 : index
      %swap3A_226 = tpu.vector_load %arg11[%swap3A_224, %swap3A_225] {strides = array<i32>} : memref<180x112xi32, #tpu.memory_space<vmem>>, vector<1x16xi32>,
      %swap3A_227 = vector.shape_cast %swap3A_226 : vector<1x16xi32> to vector<16xi32>
      %swap3A_228 = vector.shape_cast %shift_right_logical3A_223 : vector<16xi32> to vector<1x16xi32>
      tpu.vector_store %arg11[%swap3A_224, %swap3A_225], %swap3A_228 {strides = array<i32>} : memref<180x112xi32, #tpu.memory_space<vmem>>, vector<1x16xi32>,
    }
    %scan3A_5 = arith.constant 180 : i32
    %barrier3A = arith.constant 0 : index
    tpu.barrier barrier_id(%barrier3A)
    %dma_start3A = arith.constant 0 : i32
    %dma_start3A_6 = arith.constant 0 : i32
    %dma_start3A_7 = tpu.memref_slice %arg10[%dma_start3A, %dma_start3A_6] : memref<180x112xi32, #tpu.memory_space<vmem>> -> memref<1x112xi32, #tpu.memory_space<vmem>>
    %dma_start3A_8 = tpu.memref_squeeze %dma_start3A_7 : memref<1x112xi32, #tpu.memory_space<vmem>> -> memref<112xi32, #tpu.memory_space<vmem>>
    %dma_start3A_9 = arith.constant 0 : i32
    %dma_start3A_10 = arith.constant 0 : i32
    %dma_start3A_11 = tpu.memref_slice %arg2[%dma_start3A_9, %dma_start3A_10] : memref<20000x64xbf16, #tpu.memory_space<hbm>> -> memref<20000x64xbf16, #tpu.memory_space<hbm>>
    tpu.enqueue_indirect_dma source(%dma_start3A_11 : memref<20000x64xbf16, #tpu.memory_space<hbm>>) target(%arg12 : memref<112x64xbf16, #tpu.memory_space<vmem>>) offsets(%dma_start3A_8 : memref<112xi32, #tpu.memory_space<vmem>>) semaphore(%arg21 : memref<!tpu.dma_semaphore, #tpu.memory_space<semaphore_mem>>)
    %dma_start3A_12 = arith.constant 1 : i32
    %dma_start3A_13 = arith.constant 0 : i32
    %dma_start3A_14 = tpu.memref_slice %arg10[%dma_start3A_12, %dma_start3A_13] : memref<180x112xi32, #tpu.memory_space<vmem>> -> memref<1x112xi32, #tpu.memory_space<vmem>>
    %dma_start3A_15 = tpu.memref_squeeze %dma_start3A_14 : memref<1x112xi32, #tpu.memory_space<vmem>> -> memref<112xi32, #tpu.memory_space<vmem>>
    %dma_start3A_16 = arith.constant 0 : i32
    %dma_start3A_17 = arith.constant 0 : i32
    %dma_start3A_18 = tpu.memref_slice %arg2[%dma_start3A_16, %dma_start3A_17] : memref<20000x64xbf16, #tpu.memory_space<hbm>> -> memref<20000x64xbf16, #tpu.memory_space<hbm>>
    tpu.enqueue_indirect_dma source(%dma_start3A_18 : memref<20000x64xbf16, #tpu.memory_space<hbm>>) target(%arg13 : memref<112x64xbf16, #tpu.memory_space<vmem>>) offsets(%dma_start3A_15 : memref<112xi32, #tpu.memory_space<vmem>>) semaphore(%arg22 : memref<!tpu.dma_semaphore, #tpu.memory_space<semaphore_mem>>)
    %dma_start3A_19 = arith.constant 2 : i32
    %dma_start3A_20 = arith.constant 0 : i32
    %dma_start3A_21 = tpu.memref_slice %arg10[%dma_start3A_19, %dma_start3A_20] : memref<180x112xi32, #tpu.memory_space<vmem>> -> memref<1x112xi32, #tpu.memory_space<vmem>>
    %dma_start3A_22 = tpu.memref_squeeze %dma_start3A_21 : memref<1x112xi32, #tpu.memory_space<vmem>> -> memref<112xi32, #tpu.memory_space<vmem>>
    %dma_start3A_23 = arith.constant 0 : i32
    %dma_start3A_24 = arith.constant 0 : i32
    %dma_start3A_25 = tpu.memref_slice %arg2[%dma_start3A_23, %dma_start3A_24] : memref<20000x64xbf16, #tpu.memory_space<hbm>> -> memref<20000x64xbf16, #tpu.memory_space<hbm>>
    tpu.enqueue_indirect_dma source(%dma_start3A_25 : memref<20000x64xbf16, #tpu.memory_space<hbm>>) target(%arg14 : memref<112x64xbf16, #tpu.memory_space<vmem>>) offsets(%dma_start3A_22 : memref<112xi32, #tpu.memory_space<vmem>>) semaphore(%arg23 : memref<!tpu.dma_semaphore, #tpu.memory_space<semaphore_mem>>)
    %scan3A_26 = arith.constant 0 : i32
    %scan3A_27 = arith.constant 0 : i32
    %scan3A_28 = arith.constant 30 : i32
    %scan3A_29 = arith.addi %scan3A_27, %scan3A_28 : i32
    %scan3A_30 = arith.constant 1 : i32
    scf.for %scan3A_59 = %scan3A_27 to %scan3A_29 step %scan3A_30  : i32 {
      %mul3A_60 = arith.constant 6 : i32
      %mul3A_61 = arith.muli %mul3A_60, %scan3A_59 : i32
      %add3A = arith.constant 0 : i32
      %add3A_62 = arith.addi %mul3A_61, %add3A : i32
      %gt3A = arith.constant 0 : i32
      %gt3A_63 = arith.cmpi sgt, %scan3A_59, %gt3A : i32
      %convert_element_type3A = arith.extui %gt3A_63 : i1 to i32
      %cond3A = arith.constant 0 : i32
      %cond3A_64 = arith.cmpi ne, %convert_element_type3A, %cond3A : i32
      scf.if %cond3A_64 {
        %dma_wait3A_346 = arith.constant 0 : i32
        %dma_wait3A_347 = arith.constant 0 : i32
        %dma_wait3A_348 = tpu.memref_slice %arg11[%dma_wait3A_346, %dma_wait3A_347] : memref<180x112xi32, #tpu.memory_space<vmem>> -> memref<1x112xi32, #tpu.memory_space<vmem>>
        %dma_wait3A_349 = tpu.memref_squeeze %dma_wait3A_348 : memref<1x112xi32, #tpu.memory_space<vmem>> -> memref<112xi32, #tpu.memory_space<vmem>>
        %dma_wait3A_350 = arith.constant 0 : i32
        %dma_wait3A_351 = arith.constant 0 : i32
        %dma_wait3A_352 = tpu.memref_slice %arg19[%dma_wait3A_350, %dma_wait3A_351] : memref<10240x64xbf16, #tpu.memory_space<vmem_shared>> -> memref<10240x64xbf16, #tpu.memory_space<vmem_shared>>
        tpu.wait_indirect_dma semaphore(%arg30 : memref<!tpu.dma_semaphore, #tpu.memory_space<semaphore_mem>>) src(%arg15 : memref<112x64xbf16, #tpu.memory_space<vmem>>) dst(%dma_wait3A_352 : memref<10240x64xbf16, #tpu.memory_space<vmem_shared>>)
      } else {
      }
      %add3A_65 = arith.constant 3 : i32
      %add3A_66 = arith.addi %add3A_62, %add3A_65 : i32
      %dma_start3A_67 = arith.constant 0 : i32
      %dma_start3A_68 = tpu.memref_slice %arg10[%add3A_66, %dma_start3A_67] : memref<180x112xi32, #tpu.memory_space<vmem>> -> memref<1x112xi32, #tpu.memory_space<vmem>>
      %dma_start3A_69 = tpu.memref_squeeze %dma_start3A_68 : memref<1x112xi32, #tpu.memory_space<vmem>> -> memref<112xi32, #tpu.memory_space<vmem>>
      %dma_start3A_70 = arith.constant 0 : i32
      %dma_start3A_71 = arith.constant 0 : i32
      %dma_start3A_72 = tpu.memref_slice %arg2[%dma_start3A_70, %dma_start3A_71] : memref<20000x64xbf16, #tpu.memory_space<hbm>> -> memref<20000x64xbf16, #tpu.memory_space<hbm>>
      tpu.enqueue_indirect_dma source(%dma_start3A_72 : memref<20000x64xbf16, #tpu.memory_space<hbm>>) target(%arg15 : memref<112x64xbf16, #tpu.memory_space<vmem>>) offsets(%dma_start3A_69 : memref<112xi32, #tpu.memory_space<vmem>>) semaphore(%arg24 : memref<!tpu.dma_semaphore, #tpu.memory_space<semaphore_mem>>)
      %dma_wait3A_73 = arith.constant 0 : i32
      %dma_wait3A_74 = arith.constant 0 : i32
      %dma_wait3A_75 = tpu.memref_slice %arg10[%dma_wait3A_73, %dma_wait3A_74] : memref<180x112xi32, #tpu.memory_space<vmem>> -> memref<1x112xi32, #tpu.memory_space<vmem>>
      %dma_wait3A_76 = tpu.memref_squeeze %dma_wait3A_75 : memref<1x112xi32, #tpu.memory_space<vmem>> -> memref<112xi32, #tpu.memory_space<vmem>>
      %dma_wait3A_77 = arith.constant 0 : i32
      %dma_wait3A_78 = arith.constant 0 : i32
      %dma_wait3A_79 = tpu.memref_slice %arg2[%dma_wait3A_77, %dma_wait3A_78] : memref<20000x64xbf16, #tpu.memory_space<hbm>> -> memref<20000x64xbf16, #tpu.memory_space<hbm>>
      tpu.wait_indirect_dma semaphore(%arg21 : memref<!tpu.dma_semaphore, #tpu.memory_space<semaphore_mem>>) src(%dma_wait3A_79 : memref<20000x64xbf16, #tpu.memory_space<hbm>>) dst(%arg12 : memref<112x64xbf16, #tpu.memory_space<vmem>>)
      %dma_start3A_80 = arith.constant 0 : i32
      %dma_start3A_81 = tpu.memref_slice %arg11[%add3A_62, %dma_start3A_80] : memref<180x112xi32, #tpu.memory_space<vmem>> -> memref<1x112xi32, #tpu.memory_space<vmem>>
      %dma_start3A_82 = tpu.memref_squeeze %dma_start3A_81 : memref<1x112xi32, #tpu.memory_space<vmem>> -> memref<112xi32, #tpu.memory_space<vmem>>
      %dma_start3A_83 = arith.constant 0 : i32
      %dma_start3A_84 = arith.constant 0 : i32
      %dma_start3A_85 = tpu.memref_slice %arg19[%dma_start3A_83, %dma_start3A_84] : memref<10240x64xbf16, #tpu.memory_space<vmem_shared>> -> memref<10240x64xbf16, #tpu.memory_space<vmem_shared>>
      tpu.enqueue_indirect_dma source(%arg12 : memref<112x64xbf16, #tpu.memory_space<vmem>>) target(%dma_start3A_85 : memref<10240x64xbf16, #tpu.memory_space<vmem_shared>>) offsets(%dma_start3A_82 : memref<112xi32, #tpu.memory_space<vmem>>) semaphore(%arg27 : memref<!tpu.dma_semaphore, #tpu.memory_space<semaphore_mem>>) {add = true}
      %jit3A = arith.constant 2 : i32
      %eq3A = arith.constant 0 : i32
      %eq3A_86 = arith.cmpi eq, %jit3A, %eq3A : i32
      %jit3A_87 = arith.constant 1 : i32
      %select_n3A = arith.select %eq3A_86, %jit3A_87, %jit3A : i32
      %rem3A = arith.remsi %add3A_62, %select_n3A : i32
      %ne3A = arith.constant 0 : i32
      %ne3A_88 = arith.cmpi ne, %rem3A, %ne3A : i32
      %lt3A = arith.constant 0 : i32
      %lt3A_89 = arith.cmpi slt, %rem3A, %lt3A : i32
      %lt3A_90 = arith.constant 0 : i32
      %lt3A_91 = arith.cmpi slt, %select_n3A, %lt3A_90 : i32
      %ne3A_92 = arith.xori %lt3A_89, %lt3A_91 : i1
      %and3A = arith.andi %ne3A_92, %ne3A_88 : i1
      %add3A_93 = arith.addi %rem3A, %select_n3A : i32
      %select_n3A_94 = arith.select %and3A, %add3A_93, %rem3A : i32
      %eq3A_95 = arith.cmpi eq, %arg0, %select_n3A_94 : i32
      %convert_element_type3A_96 = arith.extui %eq3A_95 : i1 to i32
      %cond3A_97 = arith.constant 0 : i32
      %cond3A_98 = arith.cmpi ne, %convert_element_type3A_96, %cond3A_97 : i32
      scf.if %cond3A_98 {
        %dma_start3A_346 = arith.constant 0 : i32
        %dma_start3A_347 = tpu.memref_slice %arg11[%add3A_62, %dma_start3A_346] : memref<180x112xi32, #tpu.memory_space<vmem>> -> memref<1x112xi32, #tpu.memory_space<vmem>>
        %dma_start3A_348 = tpu.memref_squeeze %dma_start3A_347 : memref<1x112xi32, #tpu.memory_space<vmem>> -> memref<112xi32, #tpu.memory_space<vmem>>
        %dma_start3A_349 = arith.constant 0 : i32
        %dma_start3A_350 = arith.constant 0 : i32
        %dma_start3A_351 = tpu.memref_slice %arg20[%dma_start3A_349, %dma_start3A_350] : memref<10240x16xf32, #tpu.memory_space<vmem_shared>> -> memref<10240x16xf32, #tpu.memory_space<vmem_shared>>
        tpu.enqueue_indirect_dma source(%arg18 : memref<112x16xf32, #tpu.memory_space<vmem>>) target(%dma_start3A_351 : memref<10240x16xf32, #tpu.memory_space<vmem_shared>>) offsets(%dma_start3A_348 : memref<112xi32, #tpu.memory_space<vmem>>) semaphore(%arg33 : memref<!tpu.dma_semaphore, #tpu.memory_space<semaphore_mem>>) {add = true}
      } else {
      }
      %mul3A_99 = arith.constant 6 : i32
      %mul3A_100 = arith.muli %mul3A_99, %scan3A_59 : i32
      %add3A_101 = arith.constant 1 : i32
      %add3A_102 = arith.addi %mul3A_100, %add3A_101 : i32
      %gt3A_103 = arith.constant 0 : i32
      %gt3A_104 = arith.cmpi sgt, %scan3A_59, %gt3A_103 : i32
      %convert_element_type3A_105 = arith.extui %gt3A_104 : i1 to i32
      %cond3A_106 = arith.constant 0 : i32
      %cond3A_107 = arith.cmpi ne, %convert_element_type3A_105, %cond3A_106 : i32
      scf.if %cond3A_107 {
        %dma_wait3A_346 = arith.constant 0 : i32
        %dma_wait3A_347 = arith.constant 0 : i32
        %dma_wait3A_348 = tpu.memref_slice %arg11[%dma_wait3A_346, %dma_wait3A_347] : memref<180x112xi32, #tpu.memory_space<vmem>> -> memref<1x112xi32, #tpu.memory_space<vmem>>
        %dma_wait3A_349 = tpu.memref_squeeze %dma_wait3A_348 : memref<1x112xi32, #tpu.memory_space<vmem>> -> memref<112xi32, #tpu.memory_space<vmem>>
        %dma_wait3A_350 = arith.constant 0 : i32
        %dma_wait3A_351 = arith.constant 0 : i32
        %dma_wait3A_352 = tpu.memref_slice %arg19[%dma_wait3A_350, %dma_wait3A_351] : memref<10240x64xbf16, #tpu.memory_space<vmem_shared>> -> memref<10240x64xbf16, #tpu.memory_space<vmem_shared>>
        tpu.wait_indirect_dma semaphore(%arg31 : memref<!tpu.dma_semaphore, #tpu.memory_space<semaphore_mem>>) src(%arg16 : memref<112x64xbf16, #tpu.memory_space<vmem>>) dst(%dma_wait3A_352 : memref<10240x64xbf16, #tpu.memory_space<vmem_shared>>)
      } else {
      }
      %add3A_108 = arith.constant 3 : i32
      %add3A_109 = arith.addi %add3A_102, %add3A_108 : i32
      %dma_start3A_110 = arith.constant 0 : i32
      %dma_start3A_111 = tpu.memref_slice %arg10[%add3A_109, %dma_start3A_110] : memref<180x112xi32, #tpu.memory_space<vmem>> -> memref<1x112xi32, #tpu.memory_space<vmem>>
      %dma_start3A_112 = tpu.memref_squeeze %dma_start3A_111 : memref<1x112xi32, #tpu.memory_space<vmem>> -> memref<112xi32, #tpu.memory_space<vmem>>
      %dma_start3A_113 = arith.constant 0 : i32
      %dma_start3A_114 = arith.constant 0 : i32
      %dma_start3A_115 = tpu.memref_slice %arg2[%dma_start3A_113, %dma_start3A_114] : memref<20000x64xbf16, #tpu.memory_space<hbm>> -> memref<20000x64xbf16, #tpu.memory_space<hbm>>
      tpu.enqueue_indirect_dma source(%dma_start3A_115 : memref<20000x64xbf16, #tpu.memory_space<hbm>>) target(%arg16 : memref<112x64xbf16, #tpu.memory_space<vmem>>) offsets(%dma_start3A_112 : memref<112xi32, #tpu.memory_space<vmem>>) semaphore(%arg25 : memref<!tpu.dma_semaphore, #tpu.memory_space<semaphore_mem>>)
      %dma_wait3A_116 = arith.constant 0 : i32
      %dma_wait3A_117 = arith.constant 0 : i32
      %dma_wait3A_118 = tpu.memref_slice %arg10[%dma_wait3A_116, %dma_wait3A_117] : memref<180x112xi32, #tpu.memory_space<vmem>> -> memref<1x112xi32, #tpu.memory_space<vmem>>
      %dma_wait3A_119 = tpu.memref_squeeze %dma_wait3A_118 : memref<1x112xi32, #tpu.memory_space<vmem>> -> memref<112xi32, #tpu.memory_space<vmem>>
      %dma_wait3A_120 = arith.constant 0 : i32
      %dma_wait3A_121 = arith.constant 0 : i32
      %dma_wait3A_122 = tpu.memref_slice %arg2[%dma_wait3A_120, %dma_wait3A_121] : memref<20000x64xbf16, #tpu.memory_space<hbm>> -> memref<20000x64xbf16, #tpu.memory_space<hbm>>
      tpu.wait_indirect_dma semaphore(%arg22 : memref<!tpu.dma_semaphore, #tpu.memory_space<semaphore_mem>>) src(%dma_wait3A_122 : memref<20000x64xbf16, #tpu.memory_space<hbm>>) dst(%arg13 : memref<112x64xbf16, #tpu.memory_space<vmem>>)
      %dma_start3A_123 = arith.constant 0 : i32
      %dma_start3A_124 = tpu.memref_slice %arg11[%add3A_102, %dma_start3A_123] : memref<180x112xi32, #tpu.memory_space<vmem>> -> memref<1x112xi32, #tpu.memory_space<vmem>>
      %dma_start3A_125 = tpu.memref_squeeze %dma_start3A_124 : memref<1x112xi32, #tpu.memory_space<vmem>> -> memref<112xi32, #tpu.memory_space<vmem>>
      %dma_start3A_126 = arith.constant 0 : i32
      %dma_start3A_127 = arith.constant 0 : i32
      %dma_start3A_128 = tpu.memref_slice %arg19[%dma_start3A_126, %dma_start3A_127] : memref<10240x64xbf16, #tpu.memory_space<vmem_shared>> -> memref<10240x64xbf16, #tpu.memory_space<vmem_shared>>
      tpu.enqueue_indirect_dma source(%arg13 : memref<112x64xbf16, #tpu.memory_space<vmem>>) target(%dma_start3A_128 : memref<10240x64xbf16, #tpu.memory_space<vmem_shared>>) offsets(%dma_start3A_125 : memref<112xi32, #tpu.memory_space<vmem>>) semaphore(%arg28 : memref<!tpu.dma_semaphore, #tpu.memory_space<semaphore_mem>>) {add = true}
      %jit3A_129 = arith.constant 2 : i32
      %eq3A_130 = arith.constant 0 : i32
      %eq3A_131 = arith.cmpi eq, %jit3A_129, %eq3A_130 : i32
      %jit3A_132 = arith.constant 1 : i32
      %select_n3A_133 = arith.select %eq3A_131, %jit3A_132, %jit3A_129 : i32
      %rem3A_134 = arith.remsi %add3A_102, %select_n3A_133 : i32
      %ne3A_135 = arith.constant 0 : i32
      %ne3A_136 = arith.cmpi ne, %rem3A_134, %ne3A_135 : i32
      %lt3A_137 = arith.constant 0 : i32
      %lt3A_138 = arith.cmpi slt, %rem3A_134, %lt3A_137 : i32
      %lt3A_139 = arith.constant 0 : i32
      %lt3A_140 = arith.cmpi slt, %select_n3A_133, %lt3A_139 : i32
      %ne3A_141 = arith.xori %lt3A_138, %lt3A_140 : i1
      %and3A_142 = arith.andi %ne3A_141, %ne3A_136 : i1
      %add3A_143 = arith.addi %rem3A_134, %select_n3A_133 : i32
      %select_n3A_144 = arith.select %and3A_142, %add3A_143, %rem3A_134 : i32
      %eq3A_145 = arith.cmpi eq, %arg0, %select_n3A_144 : i32
      %convert_element_type3A_146 = arith.extui %eq3A_145 : i1 to i32
      %cond3A_147 = arith.constant 0 : i32
      %cond3A_148 = arith.cmpi ne, %convert_element_type3A_146, %cond3A_147 : i32
      scf.if %cond3A_148 {
        %dma_start3A_346 = arith.constant 0 : i32
        %dma_start3A_347 = tpu.memref_slice %arg11[%add3A_102, %dma_start3A_346] : memref<180x112xi32, #tpu.memory_space<vmem>> -> memref<1x112xi32, #tpu.memory_space<vmem>>
        %dma_start3A_348 = tpu.memref_squeeze %dma_start3A_347 : memref<1x112xi32, #tpu.memory_space<vmem>> -> memref<112xi32, #tpu.memory_space<vmem>>
        %dma_start3A_349 = arith.constant 0 : i32
        %dma_start3A_350 = arith.constant 0 : i32
        %dma_start3A_351 = tpu.memref_slice %arg20[%dma_start3A_349, %dma_start3A_350] : memref<10240x16xf32, #tpu.memory_space<vmem_shared>> -> memref<10240x16xf32, #tpu.memory_space<vmem_shared>>
        tpu.enqueue_indirect_dma source(%arg18 : memref<112x16xf32, #tpu.memory_space<vmem>>) target(%dma_start3A_351 : memref<10240x16xf32, #tpu.memory_space<vmem_shared>>) offsets(%dma_start3A_348 : memref<112xi32, #tpu.memory_space<vmem>>) semaphore(%arg33 : memref<!tpu.dma_semaphore, #tpu.memory_space<semaphore_mem>>) {add = true}
      } else {
      }
      %mul3A_149 = arith.constant 6 : i32
      %mul3A_150 = arith.muli %mul3A_149, %scan3A_59 : i32
      %add3A_151 = arith.constant 2 : i32
      %add3A_152 = arith.addi %mul3A_150, %add3A_151 : i32
      %gt3A_153 = arith.constant 0 : i32
      %gt3A_154 = arith.cmpi sgt, %scan3A_59, %gt3A_153 : i32
      %convert_element_type3A_155 = arith.extui %gt3A_154 : i1 to i32
      %cond3A_156 = arith.constant 0 : i32
      %cond3A_157 = arith.cmpi ne, %convert_element_type3A_155, %cond3A_156 : i32
      scf.if %cond3A_157 {
        %dma_wait3A_346 = arith.constant 0 : i32
        %dma_wait3A_347 = arith.constant 0 : i32
        %dma_wait3A_348 = tpu.memref_slice %arg11[%dma_wait3A_346, %dma_wait3A_347] : memref<180x112xi32, #tpu.memory_space<vmem>> -> memref<1x112xi32, #tpu.memory_space<vmem>>
        %dma_wait3A_349 = tpu.memref_squeeze %dma_wait3A_348 : memref<1x112xi32, #tpu.memory_space<vmem>> -> memref<112xi32, #tpu.memory_space<vmem>>
        %dma_wait3A_350 = arith.constant 0 : i32
        %dma_wait3A_351 = arith.constant 0 : i32
        %dma_wait3A_352 = tpu.memref_slice %arg19[%dma_wait3A_350, %dma_wait3A_351] : memref<10240x64xbf16, #tpu.memory_space<vmem_shared>> -> memref<10240x64xbf16, #tpu.memory_space<vmem_shared>>
        tpu.wait_indirect_dma semaphore(%arg32 : memref<!tpu.dma_semaphore, #tpu.memory_space<semaphore_mem>>) src(%arg17 : memref<112x64xbf16, #tpu.memory_space<vmem>>) dst(%dma_wait3A_352 : memref<10240x64xbf16, #tpu.memory_space<vmem_shared>>)
      } else {
      }
      %add3A_158 = arith.constant 3 : i32
      %add3A_159 = arith.addi %add3A_152, %add3A_158 : i32
      %dma_start3A_160 = arith.constant 0 : i32
      %dma_start3A_161 = tpu.memref_slice %arg10[%add3A_159, %dma_start3A_160] : memref<180x112xi32, #tpu.memory_space<vmem>> -> memref<1x112xi32, #tpu.memory_space<vmem>>
      %dma_start3A_162 = tpu.memref_squeeze %dma_start3A_161 : memref<1x112xi32, #tpu.memory_space<vmem>> -> memref<112xi32, #tpu.memory_space<vmem>>
      %dma_start3A_163 = arith.constant 0 : i32
      %dma_start3A_164 = arith.constant 0 : i32
      %dma_start3A_165 = tpu.memref_slice %arg2[%dma_start3A_163, %dma_start3A_164] : memref<20000x64xbf16, #tpu.memory_space<hbm>> -> memref<20000x64xbf16, #tpu.memory_space<hbm>>
      tpu.enqueue_indirect_dma source(%dma_start3A_165 : memref<20000x64xbf16, #tpu.memory_space<hbm>>) target(%arg17 : memref<112x64xbf16, #tpu.memory_space<vmem>>) offsets(%dma_start3A_162 : memref<112xi32, #tpu.memory_space<vmem>>) semaphore(%arg26 : memref<!tpu.dma_semaphore, #tpu.memory_space<semaphore_mem>>)
      %dma_wait3A_166 = arith.constant 0 : i32
      %dma_wait3A_167 = arith.constant 0 : i32
      %dma_wait3A_168 = tpu.memref_slice %arg10[%dma_wait3A_166, %dma_wait3A_167] : memref<180x112xi32, #tpu.memory_space<vmem>> -> memref<1x112xi32, #tpu.memory_space<vmem>>
      %dma_wait3A_169 = tpu.memref_squeeze %dma_wait3A_168 : memref<1x112xi32, #tpu.memory_space<vmem>> -> memref<112xi32, #tpu.memory_space<vmem>>
      %dma_wait3A_170 = arith.constant 0 : i32
      %dma_wait3A_171 = arith.constant 0 : i32
      %dma_wait3A_172 = tpu.memref_slice %arg2[%dma_wait3A_170, %dma_wait3A_171] : memref<20000x64xbf16, #tpu.memory_space<hbm>> -> memref<20000x64xbf16, #tpu.memory_space<hbm>>
      tpu.wait_indirect_dma semaphore(%arg23 : memref<!tpu.dma_semaphore, #tpu.memory_space<semaphore_mem>>) src(%dma_wait3A_172 : memref<20000x64xbf16, #tpu.memory_space<hbm>>) dst(%arg14 : memref<112x64xbf16, #tpu.memory_space<vmem>>)
      %dma_start3A_173 = arith.constant 0 : i32
      %dma_start3A_174 = tpu.memref_slice %arg11[%add3A_152, %dma_start3A_173] : memref<180x112xi32, #tpu.memory_space<vmem>> -> memref<1x112xi32, #tpu.memory_space<vmem>>
      %dma_start3A_175 = tpu.memref_squeeze %dma_start3A_174 : memref<1x112xi32, #tpu.memory_space<vmem>> -> memref<112xi32, #tpu.memory_space<vmem>>
      %dma_start3A_176 = arith.constant 0 : i32
      %dma_start3A_177 = arith.constant 0 : i32
      %dma_start3A_178 = tpu.memref_slice %arg19[%dma_start3A_176, %dma_start3A_177] : memref<10240x64xbf16, #tpu.memory_space<vmem_shared>> -> memref<10240x64xbf16, #tpu.memory_space<vmem_shared>>
      tpu.enqueue_indirect_dma source(%arg14 : memref<112x64xbf16, #tpu.memory_space<vmem>>) target(%dma_start3A_178 : memref<10240x64xbf16, #tpu.memory_space<vmem_shared>>) offsets(%dma_start3A_175 : memref<112xi32, #tpu.memory_space<vmem>>) semaphore(%arg29 : memref<!tpu.dma_semaphore, #tpu.memory_space<semaphore_mem>>) {add = true}
      %jit3A_179 = arith.constant 2 : i32
      %eq3A_180 = arith.constant 0 : i32
      %eq3A_181 = arith.cmpi eq, %jit3A_179, %eq3A_180 : i32
      %jit3A_182 = arith.constant 1 : i32
      %select_n3A_183 = arith.select %eq3A_181, %jit3A_182, %jit3A_179 : i32
      %rem3A_184 = arith.remsi %add3A_152, %select_n3A_183 : i32
      %ne3A_185 = arith.constant 0 : i32
      %ne3A_186 = arith.cmpi ne, %rem3A_184, %ne3A_185 : i32
      %lt3A_187 = arith.constant 0 : i32
      %lt3A_188 = arith.cmpi slt, %rem3A_184, %lt3A_187 : i32
      %lt3A_189 = arith.constant 0 : i32
      %lt3A_190 = arith.cmpi slt, %select_n3A_183, %lt3A_189 : i32
      %ne3A_191 = arith.xori %lt3A_188, %lt3A_190 : i1
      %and3A_192 = arith.andi %ne3A_191, %ne3A_186 : i1
      %add3A_193 = arith.addi %rem3A_184, %select_n3A_183 : i32
      %select_n3A_194 = arith.select %and3A_192, %add3A_193, %rem3A_184 : i32
      %eq3A_195 = arith.cmpi eq, %arg0, %select_n3A_194 : i32
      %convert_element_type3A_196 = arith.extui %eq3A_195 : i1 to i32
      %cond3A_197 = arith.constant 0 : i32
      %cond3A_198 = arith.cmpi ne, %convert_element_type3A_196, %cond3A_197 : i32
      scf.if %cond3A_198 {
        %dma_start3A_346 = arith.constant 0 : i32
        %dma_start3A_347 = tpu.memref_slice %arg11[%add3A_152, %dma_start3A_346] : memref<180x112xi32, #tpu.memory_space<vmem>> -> memref<1x112xi32, #tpu.memory_space<vmem>>
        %dma_start3A_348 = tpu.memref_squeeze %dma_start3A_347 : memref<1x112xi32, #tpu.memory_space<vmem>> -> memref<112xi32, #tpu.memory_space<vmem>>
        %dma_start3A_349 = arith.constant 0 : i32
        %dma_start3A_350 = arith.constant 0 : i32
        %dma_start3A_351 = tpu.memref_slice %arg20[%dma_start3A_349, %dma_start3A_350] : memref<10240x16xf32, #tpu.memory_space<vmem_shared>> -> memref<10240x16xf32, #tpu.memory_space<vmem_shared>>
        tpu.enqueue_indirect_dma source(%arg18 : memref<112x16xf32, #tpu.memory_space<vmem>>) target(%dma_start3A_351 : memref<10240x16xf32, #tpu.memory_space<vmem_shared>>) offsets(%dma_start3A_348 : memref<112xi32, #tpu.memory_space<vmem>>) semaphore(%arg33 : memref<!tpu.dma_semaphore, #tpu.memory_space<semaphore_mem>>) {add = true}
      } else {
      }
      %mul3A_199 = arith.constant 6 : i32
      %mul3A_200 = arith.muli %mul3A_199, %scan3A_59 : i32
      %add3A_201 = arith.constant 3 : i32
      %add3A_202 = arith.addi %mul3A_200, %add3A_201 : i32
      %dma_wait3A_203 = arith.constant 0 : i32
      %dma_wait3A_204 = arith.constant 0 : i32
      %dma_wait3A_205 = tpu.memref_slice %arg11[%dma_wait3A_203, %dma_wait3A_204] : memref<180x112xi32, #tpu.memory_space<vmem>> -> memref<1x112xi32, #tpu.memory_space<vmem>>
      %dma_wait3A_206 = tpu.memref_squeeze %dma_wait3A_205 : memref<1x112xi32, #tpu.memory_space<vmem>> -> memref<112xi32, #tpu.memory_space<vmem>>
      %dma_wait3A_207 = arith.constant 0 : i32
      %dma_wait3A_208 = arith.constant 0 : i32
      %dma_wait3A_209 = tpu.memref_slice %arg19[%dma_wait3A_207, %dma_wait3A_208] : memref<10240x64xbf16, #tpu.memory_space<vmem_shared>> -> memref<10240x64xbf16, #tpu.memory_space<vmem_shared>>
      tpu.wait_indirect_dma semaphore(%arg27 : memref<!tpu.dma_semaphore, #tpu.memory_space<semaphore_mem>>) src(%arg12 : memref<112x64xbf16, #tpu.memory_space<vmem>>) dst(%dma_wait3A_209 : memref<10240x64xbf16, #tpu.memory_space<vmem_shared>>)
      %lt3A_210 = arith.constant 29 : i32
      %lt3A_211 = arith.cmpi slt, %scan3A_59, %lt3A_210 : i32
      %convert_element_type3A_212 = arith.extui %lt3A_211 : i1 to i32
      %cond3A_213 = arith.constant 0 : i32
      %cond3A_214 = arith.cmpi ne, %convert_element_type3A_212, %cond3A_213 : i32
      scf.if %cond3A_214 {
        %add3A_346 = arith.constant 3 : i32
        %add3A_347 = arith.addi %add3A_202, %add3A_346 : i32
        %dma_start3A_348 = arith.constant 0 : i32
        %dma_start3A_349 = tpu.memref_slice %arg10[%add3A_347, %dma_start3A_348] : memref<180x112xi32, #tpu.memory_space<vmem>> -> memref<1x112xi32, #tpu.memory_space<vmem>>
        %dma_start3A_350 = tpu.memref_squeeze %dma_start3A_349 : memref<1x112xi32, #tpu.memory_space<vmem>> -> memref<112xi32, #tpu.memory_space<vmem>>
        %dma_start3A_351 = arith.constant 0 : i32
        %dma_start3A_352 = arith.constant 0 : i32
        %dma_start3A_353 = tpu.memref_slice %arg2[%dma_start3A_351, %dma_start3A_352] : memref<20000x64xbf16, #tpu.memory_space<hbm>> -> memref<20000x64xbf16, #tpu.memory_space<hbm>>
        tpu.enqueue_indirect_dma source(%dma_start3A_353 : memref<20000x64xbf16, #tpu.memory_space<hbm>>) target(%arg12 : memref<112x64xbf16, #tpu.memory_space<vmem>>) offsets(%dma_start3A_350 : memref<112xi32, #tpu.memory_space<vmem>>) semaphore(%arg21 : memref<!tpu.dma_semaphore, #tpu.memory_space<semaphore_mem>>)
      } else {
      }
      %dma_wait3A_215 = arith.constant 0 : i32
      %dma_wait3A_216 = arith.constant 0 : i32
      %dma_wait3A_217 = tpu.memref_slice %arg10[%dma_wait3A_215, %dma_wait3A_216] : memref<180x112xi32, #tpu.memory_space<vmem>> -> memref<1x112xi32, #tpu.memory_space<vmem>>
      %dma_wait3A_218 = tpu.memref_squeeze %dma_wait3A_217 : memref<1x112xi32, #tpu.memory_space<vmem>> -> memref<112xi32, #tpu.memory_space<vmem>>
      %dma_wait3A_219 = arith.constant 0 : i32
      %dma_wait3A_220 = arith.constant 0 : i32
      %dma_wait3A_221 = tpu.memref_slice %arg2[%dma_wait3A_219, %dma_wait3A_220] : memref<20000x64xbf16, #tpu.memory_space<hbm>> -> memref<20000x64xbf16, #tpu.memory_space<hbm>>
      tpu.wait_indirect_dma semaphore(%arg24 : memref<!tpu.dma_semaphore, #tpu.memory_space<semaphore_mem>>) src(%dma_wait3A_221 : memref<20000x64xbf16, #tpu.memory_space<hbm>>) dst(%arg15 : memref<112x64xbf16, #tpu.memory_space<vmem>>)
      %dma_start3A_222 = arith.constant 0 : i32
      %dma_start3A_223 = tpu.memref_slice %arg11[%add3A_202, %dma_start3A_222] : memref<180x112xi32, #tpu.memory_space<vmem>> -> memref<1x112xi32, #tpu.memory_space<vmem>>
      %dma_start3A_224 = tpu.memref_squeeze %dma_start3A_223 : memref<1x112xi32, #tpu.memory_space<vmem>> -> memref<112xi32, #tpu.memory_space<vmem>>
      %dma_start3A_225 = arith.constant 0 : i32
      %dma_start3A_226 = arith.constant 0 : i32
      %dma_start3A_227 = tpu.memref_slice %arg19[%dma_start3A_225, %dma_start3A_226] : memref<10240x64xbf16, #tpu.memory_space<vmem_shared>> -> memref<10240x64xbf16, #tpu.memory_space<vmem_shared>>
      tpu.enqueue_indirect_dma source(%arg15 : memref<112x64xbf16, #tpu.memory_space<vmem>>) target(%dma_start3A_227 : memref<10240x64xbf16, #tpu.memory_space<vmem_shared>>) offsets(%dma_start3A_224 : memref<112xi32, #tpu.memory_space<vmem>>) semaphore(%arg30 : memref<!tpu.dma_semaphore, #tpu.memory_space<semaphore_mem>>) {add = true}
      %jit3A_228 = arith.constant 2 : i32
      %eq3A_229 = arith.constant 0 : i32
      %eq3A_230 = arith.cmpi eq, %jit3A_228, %eq3A_229 : i32
      %jit3A_231 = arith.constant 1 : i32
      %select_n3A_232 = arith.select %eq3A_230, %jit3A_231, %jit3A_228 : i32
      %rem3A_233 = arith.remsi %add3A_202, %select_n3A_232 : i32
      %ne3A_234 = arith.constant 0 : i32
      %ne3A_235 = arith.cmpi ne, %rem3A_233, %ne3A_234 : i32
      %lt3A_236 = arith.constant 0 : i32
      %lt3A_237 = arith.cmpi slt, %rem3A_233, %lt3A_236 : i32
      %lt3A_238 = arith.constant 0 : i32
      %lt3A_239 = arith.cmpi slt, %select_n3A_232, %lt3A_238 : i32
      %ne3A_240 = arith.xori %lt3A_237, %lt3A_239 : i1
      %and3A_241 = arith.andi %ne3A_240, %ne3A_235 : i1
      %add3A_242 = arith.addi %rem3A_233, %select_n3A_232 : i32
      %select_n3A_243 = arith.select %and3A_241, %add3A_242, %rem3A_233 : i32
      %eq3A_244 = arith.cmpi eq, %arg0, %select_n3A_243 : i32
      %convert_element_type3A_245 = arith.extui %eq3A_244 : i1 to i32
      %cond3A_246 = arith.constant 0 : i32
      %cond3A_247 = arith.cmpi ne, %convert_element_type3A_245, %cond3A_246 : i32
      scf.if %cond3A_247 {
        %dma_start3A_346 = arith.constant 0 : i32
        %dma_start3A_347 = tpu.memref_slice %arg11[%add3A_202, %dma_start3A_346] : memref<180x112xi32, #tpu.memory_space<vmem>> -> memref<1x112xi32, #tpu.memory_space<vmem>>
        %dma_start3A_348 = tpu.memref_squeeze %dma_start3A_347 : memref<1x112xi32, #tpu.memory_space<vmem>> -> memref<112xi32, #tpu.memory_space<vmem>>
        %dma_start3A_349 = arith.constant 0 : i32
        %dma_start3A_350 = arith.constant 0 : i32
        %dma_start3A_351 = tpu.memref_slice %arg20[%dma_start3A_349, %dma_start3A_350] : memref<10240x16xf32, #tpu.memory_space<vmem_shared>> -> memref<10240x16xf32, #tpu.memory_space<vmem_shared>>
        tpu.enqueue_indirect_dma source(%arg18 : memref<112x16xf32, #tpu.memory_space<vmem>>) target(%dma_start3A_351 : memref<10240x16xf32, #tpu.memory_space<vmem_shared>>) offsets(%dma_start3A_348 : memref<112xi32, #tpu.memory_space<vmem>>) semaphore(%arg33 : memref<!tpu.dma_semaphore, #tpu.memory_space<semaphore_mem>>) {add = true}
      } else {
      }
      %mul3A_248 = arith.constant 6 : i32
      %mul3A_249 = arith.muli %mul3A_248, %scan3A_59 : i32
      %add3A_250 = arith.constant 4 : i32
      %add3A_251 = arith.addi %mul3A_249, %add3A_250 : i32
      %dma_wait3A_252 = arith.constant 0 : i32
      %dma_wait3A_253 = arith.constant 0 : i32
      %dma_wait3A_254 = tpu.memref_slice %arg11[%dma_wait3A_252, %dma_wait3A_253] : memref<180x112xi32, #tpu.memory_space<vmem>> -> memref<1x112xi32, #tpu.memory_space<vmem>>
      %dma_wait3A_255 = tpu.memref_squeeze %dma_wait3A_254 : memref<1x112xi32, #tpu.memory_space<vmem>> -> memref<112xi32, #tpu.memory_space<vmem>>
      %dma_wait3A_256 = arith.constant 0 : i32
      %dma_wait3A_257 = arith.constant 0 : i32
      %dma_wait3A_258 = tpu.memref_slice %arg19[%dma_wait3A_256, %dma_wait3A_257] : memref<10240x64xbf16, #tpu.memory_space<vmem_shared>> -> memref<10240x64xbf16, #tpu.memory_space<vmem_shared>>
      tpu.wait_indirect_dma semaphore(%arg28 : memref<!tpu.dma_semaphore, #tpu.memory_space<semaphore_mem>>) src(%arg13 : memref<112x64xbf16, #tpu.memory_space<vmem>>) dst(%dma_wait3A_258 : memref<10240x64xbf16, #tpu.memory_space<vmem_shared>>)
      %lt3A_259 = arith.constant 29 : i32
      %lt3A_260 = arith.cmpi slt, %scan3A_59, %lt3A_259 : i32
      %convert_element_type3A_261 = arith.extui %lt3A_260 : i1 to i32
      %cond3A_262 = arith.constant 0 : i32
      %cond3A_263 = arith.cmpi ne, %convert_element_type3A_261, %cond3A_262 : i32
      scf.if %cond3A_263 {
        %add3A_346 = arith.constant 3 : i32
        %add3A_347 = arith.addi %add3A_251, %add3A_346 : i32
        %dma_start3A_348 = arith.constant 0 : i32
        %dma_start3A_349 = tpu.memref_slice %arg10[%add3A_347, %dma_start3A_348] : memref<180x112xi32, #tpu.memory_space<vmem>> -> memref<1x112xi32, #tpu.memory_space<vmem>>
        %dma_start3A_350 = tpu.memref_squeeze %dma_start3A_349 : memref<1x112xi32, #tpu.memory_space<vmem>> -> memref<112xi32, #tpu.memory_space<vmem>>
        %dma_start3A_351 = arith.constant 0 : i32
        %dma_start3A_352 = arith.constant 0 : i32
        %dma_start3A_353 = tpu.memref_slice %arg2[%dma_start3A_351, %dma_start3A_352] : memref<20000x64xbf16, #tpu.memory_space<hbm>> -> memref<20000x64xbf16, #tpu.memory_space<hbm>>
        tpu.enqueue_indirect_dma source(%dma_start3A_353 : memref<20000x64xbf16, #tpu.memory_space<hbm>>) target(%arg13 : memref<112x64xbf16, #tpu.memory_space<vmem>>) offsets(%dma_start3A_350 : memref<112xi32, #tpu.memory_space<vmem>>) semaphore(%arg22 : memref<!tpu.dma_semaphore, #tpu.memory_space<semaphore_mem>>)
      } else {
      }
      %dma_wait3A_264 = arith.constant 0 : i32
      %dma_wait3A_265 = arith.constant 0 : i32
      %dma_wait3A_266 = tpu.memref_slice %arg10[%dma_wait3A_264, %dma_wait3A_265] : memref<180x112xi32, #tpu.memory_space<vmem>> -> memref<1x112xi32, #tpu.memory_space<vmem>>
      %dma_wait3A_267 = tpu.memref_squeeze %dma_wait3A_266 : memref<1x112xi32, #tpu.memory_space<vmem>> -> memref<112xi32, #tpu.memory_space<vmem>>
      %dma_wait3A_268 = arith.constant 0 : i32
      %dma_wait3A_269 = arith.constant 0 : i32
      %dma_wait3A_270 = tpu.memref_slice %arg2[%dma_wait3A_268, %dma_wait3A_269] : memref<20000x64xbf16, #tpu.memory_space<hbm>> -> memref<20000x64xbf16, #tpu.memory_space<hbm>>
      tpu.wait_indirect_dma semaphore(%arg25 : memref<!tpu.dma_semaphore, #tpu.memory_space<semaphore_mem>>) src(%dma_wait3A_270 : memref<20000x64xbf16, #tpu.memory_space<hbm>>) dst(%arg16 : memref<112x64xbf16, #tpu.memory_space<vmem>>)
      %dma_start3A_271 = arith.constant 0 : i32
      %dma_start3A_272 = tpu.memref_slice %arg11[%add3A_251, %dma_start3A_271] : memref<180x112xi32, #tpu.memory_space<vmem>> -> memref<1x112xi32, #tpu.memory_space<vmem>>
      %dma_start3A_273 = tpu.memref_squeeze %dma_start3A_272 : memref<1x112xi32, #tpu.memory_space<vmem>> -> memref<112xi32, #tpu.memory_space<vmem>>
      %dma_start3A_274 = arith.constant 0 : i32
      %dma_start3A_275 = arith.constant 0 : i32
      %dma_start3A_276 = tpu.memref_slice %arg19[%dma_start3A_274, %dma_start3A_275] : memref<10240x64xbf16, #tpu.memory_space<vmem_shared>> -> memref<10240x64xbf16, #tpu.memory_space<vmem_shared>>
      tpu.enqueue_indirect_dma source(%arg16 : memref<112x64xbf16, #tpu.memory_space<vmem>>) target(%dma_start3A_276 : memref<10240x64xbf16, #tpu.memory_space<vmem_shared>>) offsets(%dma_start3A_273 : memref<112xi32, #tpu.memory_space<vmem>>) semaphore(%arg31 : memref<!tpu.dma_semaphore, #tpu.memory_space<semaphore_mem>>) {add = true}
      %jit3A_277 = arith.constant 2 : i32
      %eq3A_278 = arith.constant 0 : i32
      %eq3A_279 = arith.cmpi eq, %jit3A_277, %eq3A_278 : i32
      %jit3A_280 = arith.constant 1 : i32
      %select_n3A_281 = arith.select %eq3A_279, %jit3A_280, %jit3A_277 : i32
      %rem3A_282 = arith.remsi %add3A_251, %select_n3A_281 : i32
      %ne3A_283 = arith.constant 0 : i32
      %ne3A_284 = arith.cmpi ne, %rem3A_282, %ne3A_283 : i32
      %lt3A_285 = arith.constant 0 : i32
      %lt3A_286 = arith.cmpi slt, %rem3A_282, %lt3A_285 : i32
      %lt3A_287 = arith.constant 0 : i32
      %lt3A_288 = arith.cmpi slt, %select_n3A_281, %lt3A_287 : i32
      %ne3A_289 = arith.xori %lt3A_286, %lt3A_288 : i1
      %and3A_290 = arith.andi %ne3A_289, %ne3A_284 : i1
      %add3A_291 = arith.addi %rem3A_282, %select_n3A_281 : i32
      %select_n3A_292 = arith.select %and3A_290, %add3A_291, %rem3A_282 : i32
      %eq3A_293 = arith.cmpi eq, %arg0, %select_n3A_292 : i32
      %convert_element_type3A_294 = arith.extui %eq3A_293 : i1 to i32
      %cond3A_295 = arith.constant 0 : i32
      %cond3A_296 = arith.cmpi ne, %convert_element_type3A_294, %cond3A_295 : i32
      scf.if %cond3A_296 {
        %dma_start3A_346 = arith.constant 0 : i32
        %dma_start3A_347 = tpu.memref_slice %arg11[%add3A_251, %dma_start3A_346] : memref<180x112xi32, #tpu.memory_space<vmem>> -> memref<1x112xi32, #tpu.memory_space<vmem>>
        %dma_start3A_348 = tpu.memref_squeeze %dma_start3A_347 : memref<1x112xi32, #tpu.memory_space<vmem>> -> memref<112xi32, #tpu.memory_space<vmem>>
        %dma_start3A_349 = arith.constant 0 : i32
        %dma_start3A_350 = arith.constant 0 : i32
        %dma_start3A_351 = tpu.memref_slice %arg20[%dma_start3A_349, %dma_start3A_350] : memref<10240x16xf32, #tpu.memory_space<vmem_shared>> -> memref<10240x16xf32, #tpu.memory_space<vmem_shared>>
        tpu.enqueue_indirect_dma source(%arg18 : memref<112x16xf32, #tpu.memory_space<vmem>>) target(%dma_start3A_351 : memref<10240x16xf32, #tpu.memory_space<vmem_shared>>) offsets(%dma_start3A_348 : memref<112xi32, #tpu.memory_space<vmem>>) semaphore(%arg33 : memref<!tpu.dma_semaphore, #tpu.memory_space<semaphore_mem>>) {add = true}
      } else {
      }
      %mul3A_297 = arith.constant 6 : i32
      %mul3A_298 = arith.muli %mul3A_297, %scan3A_59 : i32
      %add3A_299 = arith.constant 5 : i32
      %add3A_300 = arith.addi %mul3A_298, %add3A_299 : i32
      %dma_wait3A_301 = arith.constant 0 : i32
      %dma_wait3A_302 = arith.constant 0 : i32
      %dma_wait3A_303 = tpu.memref_slice %arg11[%dma_wait3A_301, %dma_wait3A_302] : memref<180x112xi32, #tpu.memory_space<vmem>> -> memref<1x112xi32, #tpu.memory_space<vmem>>
      %dma_wait3A_304 = tpu.memref_squeeze %dma_wait3A_303 : memref<1x112xi32, #tpu.memory_space<vmem>> -> memref<112xi32, #tpu.memory_space<vmem>>
      %dma_wait3A_305 = arith.constant 0 : i32
      %dma_wait3A_306 = arith.constant 0 : i32
      %dma_wait3A_307 = tpu.memref_slice %arg19[%dma_wait3A_305, %dma_wait3A_306] : memref<10240x64xbf16, #tpu.memory_space<vmem_shared>> -> memref<10240x64xbf16, #tpu.memory_space<vmem_shared>>
      tpu.wait_indirect_dma semaphore(%arg29 : memref<!tpu.dma_semaphore, #tpu.memory_space<semaphore_mem>>) src(%arg14 : memref<112x64xbf16, #tpu.memory_space<vmem>>) dst(%dma_wait3A_307 : memref<10240x64xbf16, #tpu.memory_space<vmem_shared>>)
      %lt3A_308 = arith.constant 29 : i32
      %lt3A_309 = arith.cmpi slt, %scan3A_59, %lt3A_308 : i32
      %convert_element_type3A_310 = arith.extui %lt3A_309 : i1 to i32
      %cond3A_311 = arith.constant 0 : i32
      %cond3A_312 = arith.cmpi ne, %convert_element_type3A_310, %cond3A_311 : i32
      scf.if %cond3A_312 {
        %add3A_346 = arith.constant 3 : i32
        %add3A_347 = arith.addi %add3A_300, %add3A_346 : i32
        %dma_start3A_348 = arith.constant 0 : i32
        %dma_start3A_349 = tpu.memref_slice %arg10[%add3A_347, %dma_start3A_348] : memref<180x112xi32, #tpu.memory_space<vmem>> -> memref<1x112xi32, #tpu.memory_space<vmem>>
        %dma_start3A_350 = tpu.memref_squeeze %dma_start3A_349 : memref<1x112xi32, #tpu.memory_space<vmem>> -> memref<112xi32, #tpu.memory_space<vmem>>
        %dma_start3A_351 = arith.constant 0 : i32
        %dma_start3A_352 = arith.constant 0 : i32
        %dma_start3A_353 = tpu.memref_slice %arg2[%dma_start3A_351, %dma_start3A_352] : memref<20000x64xbf16, #tpu.memory_space<hbm>> -> memref<20000x64xbf16, #tpu.memory_space<hbm>>
        tpu.enqueue_indirect_dma source(%dma_start3A_353 : memref<20000x64xbf16, #tpu.memory_space<hbm>>) target(%arg14 : memref<112x64xbf16, #tpu.memory_space<vmem>>) offsets(%dma_start3A_350 : memref<112xi32, #tpu.memory_space<vmem>>) semaphore(%arg23 : memref<!tpu.dma_semaphore, #tpu.memory_space<semaphore_mem>>)
      } else {
      }
      %dma_wait3A_313 = arith.constant 0 : i32
      %dma_wait3A_314 = arith.constant 0 : i32
      %dma_wait3A_315 = tpu.memref_slice %arg10[%dma_wait3A_313, %dma_wait3A_314] : memref<180x112xi32, #tpu.memory_space<vmem>> -> memref<1x112xi32, #tpu.memory_space<vmem>>
      %dma_wait3A_316 = tpu.memref_squeeze %dma_wait3A_315 : memref<1x112xi32, #tpu.memory_space<vmem>> -> memref<112xi32, #tpu.memory_space<vmem>>
      %dma_wait3A_317 = arith.constant 0 : i32
      %dma_wait3A_318 = arith.constant 0 : i32
      %dma_wait3A_319 = tpu.memref_slice %arg2[%dma_wait3A_317, %dma_wait3A_318] : memref<20000x64xbf16, #tpu.memory_space<hbm>> -> memref<20000x64xbf16, #tpu.memory_space<hbm>>
      tpu.wait_indirect_dma semaphore(%arg26 : memref<!tpu.dma_semaphore, #tpu.memory_space<semaphore_mem>>) src(%dma_wait3A_319 : memref<20000x64xbf16, #tpu.memory_space<hbm>>) dst(%arg17 : memref<112x64xbf16, #tpu.memory_space<vmem>>)
      %dma_start3A_320 = arith.constant 0 : i32
      %dma_start3A_321 = tpu.memref_slice %arg11[%add3A_300, %dma_start3A_320] : memref<180x112xi32, #tpu.memory_space<vmem>> -> memref<1x112xi32, #tpu.memory_space<vmem>>
      %dma_start3A_322 = tpu.memref_squeeze %dma_start3A_321 : memref<1x112xi32, #tpu.memory_space<vmem>> -> memref<112xi32, #tpu.memory_space<vmem>>
      %dma_start3A_323 = arith.constant 0 : i32
      %dma_start3A_324 = arith.constant 0 : i32
      %dma_start3A_325 = tpu.memref_slice %arg19[%dma_start3A_323, %dma_start3A_324] : memref<10240x64xbf16, #tpu.memory_space<vmem_shared>> -> memref<10240x64xbf16, #tpu.memory_space<vmem_shared>>
      tpu.enqueue_indirect_dma source(%arg17 : memref<112x64xbf16, #tpu.memory_space<vmem>>) target(%dma_start3A_325 : memref<10240x64xbf16, #tpu.memory_space<vmem_shared>>) offsets(%dma_start3A_322 : memref<112xi32, #tpu.memory_space<vmem>>) semaphore(%arg32 : memref<!tpu.dma_semaphore, #tpu.memory_space<semaphore_mem>>) {add = true}
      %jit3A_326 = arith.constant 2 : i32
      %eq3A_327 = arith.constant 0 : i32
      %eq3A_328 = arith.cmpi eq, %jit3A_326, %eq3A_327 : i32
      %jit3A_329 = arith.constant 1 : i32
      %select_n3A_330 = arith.select %eq3A_328, %jit3A_329, %jit3A_326 : i32
      %rem3A_331 = arith.remsi %add3A_300, %select_n3A_330 : i32
      %ne3A_332 = arith.constant 0 : i32
      %ne3A_333 = arith.cmpi ne, %rem3A_331, %ne3A_332 : i32
      %lt3A_334 = arith.constant 0 : i32
      %lt3A_335 = arith.cmpi slt, %rem3A_331, %lt3A_334 : i32
      %lt3A_336 = arith.constant 0 : i32
      %lt3A_337 = arith.cmpi slt, %select_n3A_330, %lt3A_336 : i32
      %ne3A_338 = arith.xori %lt3A_335, %lt3A_337 : i1
      %and3A_339 = arith.andi %ne3A_338, %ne3A_333 : i1
      %add3A_340 = arith.addi %rem3A_331, %select_n3A_330 : i32
      %select_n3A_341 = arith.select %and3A_339, %add3A_340, %rem3A_331 : i32
      %eq3A_342 = arith.cmpi eq, %arg0, %select_n3A_341 : i32
      %convert_element_type3A_343 = arith.extui %eq3A_342 : i1 to i32
      %cond3A_344 = arith.constant 0 : i32
      %cond3A_345 = arith.cmpi ne, %convert_element_type3A_343, %cond3A_344 : i32
      scf.if %cond3A_345 {
        %dma_start3A_346 = arith.constant 0 : i32
        %dma_start3A_347 = tpu.memref_slice %arg11[%add3A_300, %dma_start3A_346] : memref<180x112xi32, #tpu.memory_space<vmem>> -> memref<1x112xi32, #tpu.memory_space<vmem>>
        %dma_start3A_348 = tpu.memref_squeeze %dma_start3A_347 : memref<1x112xi32, #tpu.memory_space<vmem>> -> memref<112xi32, #tpu.memory_space<vmem>>
        %dma_start3A_349 = arith.constant 0 : i32
        %dma_start3A_350 = arith.constant 0 : i32
        %dma_start3A_351 = tpu.memref_slice %arg20[%dma_start3A_349, %dma_start3A_350] : memref<10240x16xf32, #tpu.memory_space<vmem_shared>> -> memref<10240x16xf32, #tpu.memory_space<vmem_shared>>
        tpu.enqueue_indirect_dma source(%arg18 : memref<112x16xf32, #tpu.memory_space<vmem>>) target(%dma_start3A_351 : memref<10240x16xf32, #tpu.memory_space<vmem_shared>>) offsets(%dma_start3A_348 : memref<112xi32, #tpu.memory_space<vmem>>) semaphore(%arg33 : memref<!tpu.dma_semaphore, #tpu.memory_space<semaphore_mem>>) {add = true}
      } else {
      }
    }
    %scan3A_31 = arith.constant 30 : i32
    %dma_wait3A = arith.constant 0 : i32
    %dma_wait3A_32 = arith.constant 0 : i32
    %dma_wait3A_33 = tpu.memref_slice %arg11[%dma_wait3A, %dma_wait3A_32] : memref<180x112xi32, #tpu.memory_space<vmem>> -> memref<1x112xi32, #tpu.memory_space<vmem>>
    %dma_wait3A_34 = tpu.memref_squeeze %dma_wait3A_33 : memref<1x112xi32, #tpu.memory_space<vmem>> -> memref<112xi32, #tpu.memory_space<vmem>>
    %dma_wait3A_35 = arith.constant 0 : i32
    %dma_wait3A_36 = arith.constant 0 : i32
    %dma_wait3A_37 = tpu.memref_slice %arg19[%dma_wait3A_35, %dma_wait3A_36] : memref<10240x64xbf16, #tpu.memory_space<vmem_shared>> -> memref<10240x64xbf16, #tpu.memory_space<vmem_shared>>
    tpu.wait_indirect_dma semaphore(%arg30 : memref<!tpu.dma_semaphore, #tpu.memory_space<semaphore_mem>>) src(%arg15 : memref<112x64xbf16, #tpu.memory_space<vmem>>) dst(%dma_wait3A_37 : memref<10240x64xbf16, #tpu.memory_space<vmem_shared>>)
    %dma_wait3A_38 = arith.constant 0 : i32
    %dma_wait3A_39 = arith.constant 0 : i32
    %dma_wait3A_40 = tpu.memref_slice %arg11[%dma_wait3A_38, %dma_wait3A_39] : memref<180x112xi32, #tpu.memory_space<vmem>> -> memref<1x112xi32, #tpu.memory_space<vmem>>
    %dma_wait3A_41 = tpu.memref_squeeze %dma_wait3A_40 : memref<1x112xi32, #tpu.memory_space<vmem>> -> memref<112xi32, #tpu.memory_space<vmem>>
    %dma_wait3A_42 = arith.constant 0 : i32
    %dma_wait3A_43 = arith.constant 0 : i32
    %dma_wait3A_44 = tpu.memref_slice %arg19[%dma_wait3A_42, %dma_wait3A_43] : memref<10240x64xbf16, #tpu.memory_space<vmem_shared>> -> memref<10240x64xbf16, #tpu.memory_space<vmem_shared>>
    tpu.wait_indirect_dma semaphore(%arg31 : memref<!tpu.dma_semaphore, #tpu.memory_space<semaphore_mem>>) src(%arg16 : memref<112x64xbf16, #tpu.memory_space<vmem>>) dst(%dma_wait3A_44 : memref<10240x64xbf16, #tpu.memory_space<vmem_shared>>)
    %dma_wait3A_45 = arith.constant 0 : i32
    %dma_wait3A_46 = arith.constant 0 : i32
    %dma_wait3A_47 = tpu.memref_slice %arg11[%dma_wait3A_45, %dma_wait3A_46] : memref<180x112xi32, #tpu.memory_space<vmem>> -> memref<1x112xi32, #tpu.memory_space<vmem>>
    %dma_wait3A_48 = tpu.memref_squeeze %dma_wait3A_47 : memref<1x112xi32, #tpu.memory_space<vmem>> -> memref<112xi32, #tpu.memory_space<vmem>>
    %dma_wait3A_49 = arith.constant 0 : i32
    %dma_wait3A_50 = arith.constant 0 : i32
    %dma_wait3A_51 = tpu.memref_slice %arg19[%dma_wait3A_49, %dma_wait3A_50] : memref<10240x64xbf16, #tpu.memory_space<vmem_shared>> -> memref<10240x64xbf16, #tpu.memory_space<vmem_shared>>
    tpu.wait_indirect_dma semaphore(%arg32 : memref<!tpu.dma_semaphore, #tpu.memory_space<semaphore_mem>>) src(%arg17 : memref<112x64xbf16, #tpu.memory_space<vmem>>) dst(%dma_wait3A_51 : memref<10240x64xbf16, #tpu.memory_space<vmem_shared>>)
    %scan3A_52 = arith.constant 0 : i32
    %scan3A_53 = arith.constant 0 : i32
    %scan3A_54 = arith.constant 90 : i32
    %scan3A_55 = arith.addi %scan3A_53, %scan3A_54 : i32
    %scan3A_56 = arith.constant 1 : i32
    scf.for %scan3A_59 = %scan3A_53 to %scan3A_55 step %scan3A_56  : i32 {
      %dma_wait3A_60 = arith.constant 0 : i32
      %dma_wait3A_61 = arith.constant 0 : i32
      %dma_wait3A_62 = tpu.memref_slice %arg11[%dma_wait3A_60, %dma_wait3A_61] : memref<180x112xi32, #tpu.memory_space<vmem>> -> memref<1x112xi32, #tpu.memory_space<vmem>>
      %dma_wait3A_63 = tpu.memref_squeeze %dma_wait3A_62 : memref<1x112xi32, #tpu.memory_space<vmem>> -> memref<112xi32, #tpu.memory_space<vmem>>
      %dma_wait3A_64 = arith.constant 0 : i32
      %dma_wait3A_65 = arith.constant 0 : i32
      %dma_wait3A_66 = tpu.memref_slice %arg20[%dma_wait3A_64, %dma_wait3A_65] : memref<10240x16xf32, #tpu.memory_space<vmem_shared>> -> memref<10240x16xf32, #tpu.memory_space<vmem_shared>>
      tpu.wait_indirect_dma semaphore(%arg33 : memref<!tpu.dma_semaphore, #tpu.memory_space<semaphore_mem>>) src(%arg18 : memref<112x16xf32, #tpu.memory_space<vmem>>) dst(%dma_wait3A_66 : memref<10240x16xf32, #tpu.memory_space<vmem_shared>>)
    }
    %scan3A_57 = arith.constant 90 : i32
    %barrier3A_58 = arith.constant 0 : index
    tpu.barrier barrier_id(%barrier3A_58)
    "tpu.region"() ({
      %run_scoped3A = tpu.sem_alloc : memref<!tpu.dma_semaphore, #tpu.memory_space<semaphore_mem>>
      %dma_start3A_59 = arith.constant 0 : i32
      %dma_start3A_60 = tpu.memref_slice %arg7[%arg0, %mul3A_0, %dma_start3A_59] : memref<2x10240x64xbf16, #tpu.memory_space<hbm>> -> memref<1x640x64xbf16, #tpu.memory_space<hbm>>
      %dma_start3A_61 = tpu.memref_squeeze %dma_start3A_60 : memref<1x640x64xbf16, #tpu.memory_space<hbm>> -> memref<640x64xbf16, #tpu.memory_space<hbm>>
      %dma_start3A_62 = arith.constant 0 : i32
      %dma_start3A_63 = tpu.memref_slice %arg19[%mul3A_0, %dma_start3A_62] : memref<10240x64xbf16, #tpu.memory_space<vmem_shared>> -> memref<640x64xbf16, #tpu.memory_space<vmem_shared>>
      tpu.enqueue_dma source(%dma_start3A_63 : memref<640x64xbf16, #tpu.memory_space<vmem_shared>>) target(%dma_start3A_61 : memref<640x64xbf16, #tpu.memory_space<hbm>>) target_semaphore(%run_scoped3A : memref<!tpu.dma_semaphore, #tpu.memory_space<semaphore_mem>>)
      %dma_wait3A_64 = arith.constant 0 : i32
      %dma_wait3A_65 = tpu.memref_slice %arg7[%arg0, %mul3A_0, %dma_wait3A_64] : memref<2x10240x64xbf16, #tpu.memory_space<hbm>> -> memref<1x640x64xbf16, #tpu.memory_space<hbm>>
      %dma_wait3A_66 = tpu.memref_squeeze %dma_wait3A_65 : memref<1x640x64xbf16, #tpu.memory_space<hbm>> -> memref<640x64xbf16, #tpu.memory_space<hbm>>
      %dma_wait3A_67 = arith.constant 0 : i32
      %dma_wait3A_68 = tpu.memref_slice %arg19[%mul3A_0, %dma_wait3A_67] : memref<10240x64xbf16, #tpu.memory_space<vmem_shared>> -> memref<640x64xbf16, #tpu.memory_space<vmem_shared>>
      tpu.wait_dma2 semaphore(%run_scoped3A : memref<!tpu.dma_semaphore, #tpu.memory_space<semaphore_mem>>) src(%dma_wait3A_68 : memref<640x64xbf16, #tpu.memory_space<vmem_shared>>) dst(%dma_wait3A_66 : memref<640x64xbf16, #tpu.memory_space<hbm>>)
      tpu.yield
    }) : () -> ()
    "tpu.region"() ({
      %run_scoped3A = tpu.sem_alloc : memref<!tpu.dma_semaphore, #tpu.memory_space<semaphore_mem>>
      %dma_start3A_59 = arith.constant 0 : i32
      %dma_start3A_60 = tpu.memref_slice %arg8[%arg0, %mul3A_0, %dma_start3A_59] : memref<2x10240x16xf32, #tpu.memory_space<hbm>> -> memref<1x640x16xf32, #tpu.memory_space<hbm>>
      %dma_start3A_61 = tpu.memref_squeeze %dma_start3A_60 : memref<1x640x16xf32, #tpu.memory_space<hbm>> -> memref<640x16xf32, #tpu.memory_space<hbm>>
      %dma_start3A_62 = arith.constant 0 : i32
      %dma_start3A_63 = tpu.memref_slice %arg20[%mul3A_0, %dma_start3A_62] : memref<10240x16xf32, #tpu.memory_space<vmem_shared>> -> memref<640x16xf32, #tpu.memory_space<vmem_shared>>
      tpu.enqueue_dma source(%dma_start3A_63 : memref<640x16xf32, #tpu.memory_space<vmem_shared>>) target(%dma_start3A_61 : memref<640x16xf32, #tpu.memory_space<hbm>>) target_semaphore(%run_scoped3A : memref<!tpu.dma_semaphore, #tpu.memory_space<semaphore_mem>>)
      %dma_wait3A_64 = arith.constant 0 : i32
      %dma_wait3A_65 = tpu.memref_slice %arg8[%arg0, %mul3A_0, %dma_wait3A_64] : memref<2x10240x16xf32, #tpu.memory_space<hbm>> -> memref<1x640x16xf32, #tpu.memory_space<hbm>>
      %dma_wait3A_66 = tpu.memref_squeeze %dma_wait3A_65 : memref<1x640x16xf32, #tpu.memory_space<hbm>> -> memref<640x16xf32, #tpu.memory_space<hbm>>
      %dma_wait3A_67 = arith.constant 0 : i32
      %dma_wait3A_68 = tpu.memref_slice %arg20[%mul3A_0, %dma_wait3A_67] : memref<10240x16xf32, #tpu.memory_space<vmem_shared>> -> memref<640x16xf32, #tpu.memory_space<vmem_shared>>
      tpu.wait_dma2 semaphore(%run_scoped3A : memref<!tpu.dma_semaphore, #tpu.memory_space<semaphore_mem>>) src(%dma_wait3A_68 : memref<640x16xf32, #tpu.memory_space<vmem_shared>>) dst(%dma_wait3A_66 : memref<640x16xf32, #tpu.memory_space<hbm>>)
      tpu.yield
    }) : () -> ()
    return
  }
}

module attributes {stable_mosaic.version = 14 : i64} {
  func.func @body(%arg0: i32, %arg1: memref<2x1024x64xbf16, #tpu.memory_space<vmem>>, %arg2: memref<2x1024x16xf32, #tpu.memory_space<vmem>>, %arg3: memref<1024x128xf32, #tpu.memory_space<vmem>>, %arg4: memref<1024x128xf32, #tpu.memory_space<vmem>>, %arg5: memref<128x128xf32, #tpu.memory_space<vmem>>, %arg6: memref<1x128xf32, #tpu.memory_space<vmem>>, %arg7: memref<1x1xf32, #tpu.memory_space<smem>>) attributes {dimension_semantics = [#tpu.dimension_semantics<arbitrary>], iteration_bounds = array<i64: 10>, scalar_prefetch = 0 : i64, scratch_operands = 0 : i64, tpu.core_type = #tpu.core_type<tc>, window_params = [{transform_indices = @transform_0, window_bounds = array<i64: 2, 1024, 64>}, {transform_indices = @transform_1, window_bounds = array<i64: 2, 1024, 16>}, {transform_indices = @transform_2, window_bounds = array<i64: 1024, 128>}, {transform_indices = @transform_3, window_bounds = array<i64: 1024, 128>}, {pipeline_mode = #tpu.pipeline_mode<synchronous>, transform_indices = @transform_4, window_bounds = array<i64: 128, 128>}, {pipeline_mode = #tpu.pipeline_mode<synchronous>, transform_indices = @transform_5, window_bounds = array<i64: 1, 128>}, {transform_indices = @transform_6, window_bounds = array<i64: 1, 1>}]} {
    %get3A = arith.constant 0 : index
    %get3A_0 = arith.constant 0 : index
    %get3A_1 = arith.constant 0 : index
    %get3A_2 = vector.load %arg1[%get3A, %get3A_0, %get3A_1] : memref<2x1024x64xbf16, #tpu.memory_space<vmem>>, vector<1x1024x64xbf16>
    %get3A_3 = vector.shape_cast %get3A_2 : vector<1x1024x64xbf16> to vector<1024x64xbf16>
    %get3A_4 = arith.constant 1 : index
    %get3A_5 = arith.constant 0 : index
    %get3A_6 = arith.constant 0 : index
    %get3A_7 = vector.load %arg1[%get3A_4, %get3A_5, %get3A_6] : memref<2x1024x64xbf16, #tpu.memory_space<vmem>>, vector<1x1024x64xbf16>
    %get3A_8 = vector.shape_cast %get3A_7 : vector<1x1024x64xbf16> to vector<1024x64xbf16>
    %concatenate3A = tpu.concatenate %get3A_3, %get3A_8 in 1 : vector<1024x64xbf16>, vector<1024x64xbf16> -> vector<1024x128xbf16>
    %convert_element_type3A = arith.extf %concatenate3A : vector<1024x128xbf16> to vector<1024x128xf32>
    %get3A_9 = arith.constant 0 : index
    %get3A_10 = arith.constant 0 : index
    %get3A_11 = arith.constant 0 : index
    %get3A_12 = vector.load %arg2[%get3A_9, %get3A_10, %get3A_11] : memref<2x1024x16xf32, #tpu.memory_space<vmem>>, vector<1x1024x1xf32>
    %get3A_13 = vector.shape_cast %get3A_12 : vector<1x1024x1xf32> to vector<1024x1xf32>
    %get3A_14 = arith.constant 1 : index
    %get3A_15 = arith.constant 0 : index
    %get3A_16 = arith.constant 0 : index
    %get3A_17 = vector.load %arg2[%get3A_14, %get3A_15, %get3A_16] : memref<2x1024x16xf32, #tpu.memory_space<vmem>>, vector<1x1024x1xf32>
    %get3A_18 = vector.shape_cast %get3A_17 : vector<1x1024x1xf32> to vector<1024x1xf32>
    %add3A = arith.addf %get3A_13, %get3A_18 : vector<1024x1xf32>
    %max3A = arith.constant 1.000000e+00 : f32
    %max3A_19 = vector.broadcast %max3A : f32 to vector<1024x1xf32>
    %max3A_20 = arith.maximumf %add3A, %max3A_19 : vector<1024x1xf32>
    %div3A = vector.broadcast %max3A_20 : vector<1024x1xf32> to vector<1024x128xf32>
    %div3A_21 = arith.divf %convert_element_type3A, %div3A : vector<1024x128xf32>
    %get3A_22 = arith.constant 0 : index
    %get3A_23 = arith.constant 0 : index
    %get3A_24 = vector.load %arg5[%get3A_22, %get3A_23] : memref<128x128xf32, #tpu.memory_space<vmem>>, vector<128x128xf32>
    %dot_general3A = arith.constant dense<0.000000e+00> : vector<1024x128xf32>
    %dot_general3A_25 = tpu.matmul %div3A_21, %get3A_24, %dot_general3A {dimension_numbers = #tpu.dot_dimension_numbers<[1], [0], [0], [1], [0, 0, 1, 1], [], []>, transpose_lhs_hint = false} : vector<1024x128xf32>, vector<128x128xf32>, vector<1024x128xf32> -> vector<1024x128xf32>
    %get3A_26 = arith.constant 0 : index
    %get3A_27 = arith.constant 0 : index
    %get3A_28 = vector.load %arg6[%get3A_26, %get3A_27] : memref<1x128xf32, #tpu.memory_space<vmem>>, vector<1x128xf32>
    %add3A_29 = vector.broadcast %get3A_28 : vector<1x128xf32> to vector<1024x128xf32>
    %add3A_30 = arith.addf %dot_general3A_25, %add3A_29 : vector<1024x128xf32>
    %get3A_31 = arith.constant 0 : index
    %get3A_32 = arith.constant 0 : index
    %get3A_33 = vector.load %arg3[%get3A_31, %get3A_32] : memref<1024x128xf32, #tpu.memory_space<vmem>>, vector<1024x128xf32>
    %mul3A = arith.mulf %add3A_30, %add3A_30 : vector<1024x128xf32>
    %reduce_sum3A = arith.constant dense<0.000000e+00> : vector<1024xf32>
    %reduce_sum3A_34 = vector.multi_reduction <add>, %mul3A, %reduce_sum3A [1] : vector<1024x128xf32> to vector<1024xf32>
    %broadcast_in_dim3A = vector.shape_cast %reduce_sum3A_34 : vector<1024xf32> to vector<1024x1xf32>
    %sqrt3A = math.sqrt %broadcast_in_dim3A : vector<1024x1xf32>
    %add3A_35 = arith.constant 9.99999993E-9 : f32
    %add3A_36 = vector.broadcast %add3A_35 : f32 to vector<1024x1xf32>
    %add3A_37 = arith.addf %sqrt3A, %add3A_36 : vector<1024x1xf32>
    %mul3A_38 = arith.mulf %get3A_33, %get3A_33 : vector<1024x128xf32>
    %reduce_sum3A_39 = arith.constant dense<0.000000e+00> : vector<1024xf32>
    %reduce_sum3A_40 = vector.multi_reduction <add>, %mul3A_38, %reduce_sum3A_39 [1] : vector<1024x128xf32> to vector<1024xf32>
    %broadcast_in_dim3A_41 = vector.shape_cast %reduce_sum3A_40 : vector<1024xf32> to vector<1024x1xf32>
    %sqrt3A_42 = math.sqrt %broadcast_in_dim3A_41 : vector<1024x1xf32>
    %add3A_43 = arith.constant 9.99999993E-9 : f32
    %add3A_44 = vector.broadcast %add3A_43 : f32 to vector<1024x1xf32>
    %add3A_45 = arith.addf %sqrt3A_42, %add3A_44 : vector<1024x1xf32>
    %div3A_46 = vector.broadcast %add3A_37 : vector<1024x1xf32> to vector<1024x128xf32>
    %div3A_47 = arith.divf %add3A_30, %div3A_46 : vector<1024x128xf32>
    %div3A_48 = vector.broadcast %add3A_45 : vector<1024x1xf32> to vector<1024x128xf32>
    %div3A_49 = arith.divf %get3A_33, %div3A_48 : vector<1024x128xf32>
    %mul3A_50 = arith.mulf %div3A_47, %div3A_49 : vector<1024x128xf32>
    %reduce_sum3A_51 = arith.constant dense<0.000000e+00> : vector<1024xf32>
    %reduce_sum3A_52 = vector.multi_reduction <add>, %mul3A_50, %reduce_sum3A_51 [1] : vector<1024x128xf32> to vector<1024xf32>
    %broadcast_in_dim3A_53 = vector.shape_cast %reduce_sum3A_52 : vector<1024xf32> to vector<1024x1xf32>
    %sub3A = arith.constant 1.000000e+00 : f32
    %sub3A_54 = vector.broadcast %sub3A : f32 to vector<1024x1xf32>
    %sub3A_55 = arith.subf %sub3A_54, %broadcast_in_dim3A_53 : vector<1024x1xf32>
    %mul3A_56 = arith.mulf %sub3A_55, %sub3A_55 : vector<1024x1xf32>
    %get3A_57 = arith.constant 0 : index
    %get3A_58 = arith.constant 0 : index
    %get3A_59 = vector.load %arg4[%get3A_57, %get3A_58] : memref<1024x128xf32, #tpu.memory_space<vmem>>, vector<1024x1xf32>
    %mul3A_60 = arith.mulf %mul3A_56, %get3A_59 : vector<1024x1xf32>
    %reduce_sum3A_61 = vector.shape_cast %mul3A_60 : vector<1024x1xf32> to vector<1x1024x1xf32>
    %reduce_sum3A_62 = arith.constant dense<0.000000e+00> : vector<1xf32>
    %reduce_sum3A_63 = vector.multi_reduction <add>, %reduce_sum3A_61, %reduce_sum3A_62 [1, 2] : vector<1x1024x1xf32> to vector<1xf32>
    %reduce_sum3A_64 = vector.shape_cast %reduce_sum3A_63 : vector<1xf32> to vector<1x1x1xf32>
    %reduce_sum3A_65 = vector.extract %reduce_sum3A_64[0, 0, 0] : f32 from vector<1x1x1xf32>
    %eq3A = arith.constant 0 : i32
    %eq3A_66 = arith.cmpi eq, %arg0, %eq3A : i32
    %convert_element_type3A_67 = arith.extui %eq3A_66 : i1 to i32
    %cond3A = arith.constant 0 : i32
    %cond3A_68 = arith.cmpi ne, %convert_element_type3A_67, %cond3A : i32
    scf.if %cond3A_68 {
      %swap3A_75 = arith.constant 0.000000e+00 : f32
      %swap3A_76 = arith.constant 0 : index
      %swap3A_77 = arith.constant 0 : index
      %swap3A_78 = memref.load %arg7[%swap3A_76, %swap3A_77] : memref<1x1xf32, #tpu.memory_space<smem>>
      memref.store %swap3A_75, %arg7[%swap3A_76, %swap3A_77] : memref<1x1xf32, #tpu.memory_space<smem>>
    } else {
    }
    %get3A_69 = arith.constant 0 : index
    %get3A_70 = arith.constant 0 : index
    %get3A_71 = memref.load %arg7[%get3A_69, %get3A_70] : memref<1x1xf32, #tpu.memory_space<smem>>
    %add3A_72 = arith.addf %get3A_71, %reduce_sum3A_65 : f32
    %swap3A = arith.constant 0 : index
    %swap3A_73 = arith.constant 0 : index
    %swap3A_74 = memref.load %arg7[%swap3A, %swap3A_73] : memref<1x1xf32, #tpu.memory_space<smem>>
    memref.store %add3A_72, %arg7[%swap3A, %swap3A_73] : memref<1x1xf32, #tpu.memory_space<smem>>
    return
  }
  func.func @transform_0(%arg0: i32) -> (i32, i32, i32) {
    %c0_i32 = arith.constant 0 : i32
    %c0_i32_0 = arith.constant 0 : i32
    %c0_i32_1 = arith.constant 0 : i32
    return %c0_i32, %arg0, %c0_i32_0 : i32, i32, i32
  }
  func.func @transform_1(%arg0: i32) -> (i32, i32, i32) {
    %c0_i32 = arith.constant 0 : i32
    %c0_i32_0 = arith.constant 0 : i32
    %c0_i32_1 = arith.constant 0 : i32
    return %c0_i32, %arg0, %c0_i32_0 : i32, i32, i32
  }
  func.func @transform_2(%arg0: i32) -> (i32, i32) {
    %c0_i32 = arith.constant 0 : i32
    %c0_i32_0 = arith.constant 0 : i32
    return %arg0, %c0_i32 : i32, i32
  }
  func.func @transform_3(%arg0: i32) -> (i32, i32) {
    %c0_i32 = arith.constant 0 : i32
    %c0_i32_0 = arith.constant 0 : i32
    return %arg0, %c0_i32 : i32, i32
  }
  func.func @transform_4(%arg0: i32) -> (i32, i32) {
    %c0_i32 = arith.constant 0 : i32
    %c0_i32_0 = arith.constant 0 : i32
    %c0_i32_1 = arith.constant 0 : i32
    return %c0_i32, %c0_i32_0 : i32, i32
  }
  func.func @transform_5(%arg0: i32) -> (i32, i32) {
    %c0_i32 = arith.constant 0 : i32
    %c0_i32_0 = arith.constant 0 : i32
    %c0_i32_1 = arith.constant 0 : i32
    return %c0_i32, %c0_i32_0 : i32, i32
  }
  func.func @transform_6(%arg0: i32) -> (i32, i32) {
    %c0_i32 = arith.constant 0 : i32
    %c0_i32_0 = arith.constant 0 : i32
    %c0_i32_1 = arith.constant 0 : i32
    return %c0_i32, %c0_i32_0 : i32, i32
  }
}

</mosaic_0001>

<sc_bundles>
// kernel: kernel.4.cloned.1.call-start
scs
__scs_entry_jumppad:
0x0: {  	(pc) =	sbr.rel $0x88, $3  }
0x1: {  	(tag) =	ssettag $0x0;
	lr =	simm.s32 $0x1  }
0x2: {  	[smem:$0x3F9B] =	sst lr;
	_ =	strace $0xD0000000  }
0x3: {  	_ = 	snop  }
0x4: {  	_ = 	snop  }
0x5: {  	_ = 	snop  }
0x6: {  	_ = 	snop  }
0x7: {  	_ = 	snop  }
__scs_overlays_trampoline_lowered:
0x8: {  	[smem:$0x3FAA] =	sst s0  }
0x9: {  	[smem:$0x3FAB] =	sst s1  }
0xa: {  	[smem:$0x3FAC] =	sst s2  }
0xb: {  	[smem:$0x3FAD] =	sst s3  }
0xc: {  	[smem:$0x3FAE] =	sst s4  }
0xd: {  	[smem:$0x3FAF] =	sst s5  }
0xe: {  	[smem:$0x3FB0] =	sst s6  }
0xf: {  	[smem:$0x3FB1] =	sst s7  }
0x10: {  	[smem:$0x3FB2] =	sst s8  }
0x11: {  	[smem:$0x3FB3] =	sst s9;
	s0 =	simm.s32 @!p0 $0x0  }
0x12: {  	s1 =	sld [smem:$0x3F99];
	s0 =	simm.s32 @p0 $0x1  }
0x13: {  	[smem:$0x3FB4] =	sst s0;
	s0 =	simm.s32 @!p1 $0x0  }
0x14: {  	s2 =	sld [smem:$0x3F98];
	s0 =	simm.s32 @p1 $0x1  }
0x15: {  	[smem:$0x3FB5] =	sst s0;
	s0 =	simm.s32 @!p2 $0x0  }
0x16: {  	s3 =	sld [smem:$0x3FDB];
	s0 =	simm.s32 @p2 $0x1  }
0x17: {  	s4 =	simm.s32 $0x1BF5;
	[smem:$0x3FB7] =	sst s0  }
0x18: {  	s0 =	sld [smem:$0x3F9A];
	_ =	swait.ge [sflag:s4], $0x0  }
0x19: {  	s7 =	sld [smem:$0x3F9B]  }
0x1a: {  	s8 =	sadd.s32 $0xFFFFE003, lr  }
0x1b: {  	s9 =	sadd.s32 $0xFFFFFEF7, lr;
	s5 =	simm.s32 $0xFFFFFFFF;
	p2 =	slt.u32 s8, $0xFFFFF086  }
0x1c: {  	p1 =	slt.u32 s9, $0xF7A;
	s5 =	simm.s32 @!p2 $0x0  }
0x1d: {  	s5 =	simm.s32 @p1 $0x1;
	p0 =	seq.s32 s7, s2  }
0x1e: {  	s7 =	smul.u32 @!p0 $0xF7A, s2;
	p2 =	seq.s32 @!p0 s5, $0x0  }
0x1f: {  	s9 =	smul.u32 $0xF7A, s1;
	s8 =	simm.s32 @!p0 $0x1BF5;
	p2 =	por !p2, p0  }
0x20: {  	[sflag:s8] =	ssyncset.s32 @!p0 $0xFFFFF086;
	s6 =	sadd.s32 @!p0 s3, s7;
	s7 =	simm.s32 @!p0 $0x108  }
0x21: {  	s3 =	sadd.s32 s3, s9;
	s6 =	sadd.s32 @!p0 $0x88, s6;
	s7 =	simm.s32 @p2 $0x1082  }
0x22: {  	[simem:s7], [sflag:s8] =	dma.local @!p0 [hbm:s6], $0xF7A  }
0x23: {  	s9 =	sor.u32 $0xD0000000, s2;
	s6 =	simm.s32 $0x108;
	_ =	swait.ge @!p0 [sflag:s8], $0x0  }
0x24: {  	s3 =	sadd.s32 $0x88, s3;
	s6 =	simm.s32 @!p1 $0x1082;
	[sflag:s4] =	ssyncset.s32 $0xFFFFF086  }
0x25: {  	[simem:s6], [sflag:s4] =	dma.local [hbm:s3], $0xF7A  }
0x26: {  	[smem:$0x3F9B] =	sst s1;
	(tag) =	ssettag s2;
	_ =	strace s9  }
0x27: {  	s1 =	sld [smem:$0x3FAB]  }
0x28: {  	s2 =	sld [smem:$0x3FAC]  }
0x29: {  	s4 =	sld [smem:$0x3FAE]  }
0x2a: {  	p0 =	seq.s32 s5, $0x0;
	s5 =	sld [smem:$0x3FAF]  }
0x2b: {  	s6 =	sld [smem:$0x3FB0]  }
0x2c: {  	s7 =	sld [smem:$0x3FB1]  }
0x2d: {  	s3 =	simm.s32 $0x108;
	s8 =	sld [smem:$0x3FB2]  }
0x2e: {  	s3 =	simm.s32 @!p0 $0x1082;
	s9 =	sld [smem:$0x3FB3]  }
0x2f: {  	lr =	sadd.s32 s0, s3;
	s0 =	sld [smem:$0x3FAA]  }
0x30: {  	s3 =	sld [smem:$0x3FAD]  }
0x31: {  	[smem:$0x3FB6] =	sst s10  }
0x32: {  	s10 =	sld [smem:$0x3FB4];
	_ =	sdelay $0x3  }
0x33: {  	p0 =	seq.s32 s10, $0x1;
	s10 =	sld [smem:$0x3FB6];
	_ =	sdelay $0x3  }
0x34: {  	[smem:$0x3FB6] =	sst s10  }
0x35: {  	s10 =	sld [smem:$0x3FB5];
	_ =	sdelay $0x3  }
0x36: {  	p1 =	seq.s32 s10, $0x1;
	s10 =	sld [smem:$0x3FB6];
	_ =	sdelay $0x3  }
0x37: {  	[smem:$0x3FB6] =	sst s10  }
0x38: {  	s10 =	sld [smem:$0x3FB7]  }
0x39: {  	_ = 	snop;
	(pc) =	sbr.ind lr, $3  }
0x3a: {  	_ = 	snop  }
0x3b: {  	_ = 	snop  }
0x3c: {  	p2 =	seq.s32 s10, $0x1;
	s10 =	sld [smem:$0x3FB6]  }
0x3d: {  	_ =	shalt  }
0x3e: {  	_ =	shalt  }
0x3f: {  	_ =	shalt  }
0x40: {  	_ =	shalt  }
0x41: {  	_ =	shalt  }
0x42: {  	_ =	shalt  }
0x43: {  	_ =	shalt  }
0x44: {  	_ =	shalt  }
0x45: {  	_ =	shalt  }
0x46: {  	_ =	shalt  }
0x47: {  	_ =	shalt  }
0x48: {  	_ =	shalt  }
0x49: {  	_ =	shalt  }
0x4a: {  	_ =	shalt  }
0x4b: {  	_ =	shalt  }
0x4c: {  	_ =	shalt  }
0x4d: {  	_ =	shalt  }
0x4e: {  	_ =	shalt  }
0x4f: {  	_ =	shalt  }
0x50: {  	_ =	shalt  }
0x51: {  	_ =	shalt  }
0x52: {  	_ =	shalt  }
0x53: {  	_ =	shalt  }
0x54: {  	_ =	shalt  }
0x55: {  	_ =	shalt  }
0x56: {  	_ =	shalt  }
0x57: {  	_ =	shalt  }
0x58: {  	_ =	shalt  }
0x59: {  	_ =	shalt  }
0x5a: {  	_ =	shalt  }
0x5b: {  	_ =	shalt  }
0x5c: {  	_ =	shalt  }
0x5d: {  	_ =	shalt  }
0x5e: {  	_ =	shalt  }
0x5f: {  	_ =	shalt  }
0x60: {  	_ =	shalt  }
0x61: {  	_ =	shalt  }
0x62: {  	_ =	shalt  }
0x63: {  	_ =	shalt  }
0x64: {  	_ =	shalt  }
0x65: {  	_ =	shalt  }
0x66: {  	_ =	shalt  }
0x67: {  	_ =	shalt  }
0x68: {  	_ =	shalt  }
0x69: {  	_ =	shalt  }
0x6a: {  	_ =	shalt  }
0x6b: {  	_ =	shalt  }
0x6c: {  	_ =	shalt  }
0x6d: {  	_ =	shalt  }
0x6e: {  	_ =	shalt  }
0x6f: {  	_ =	shalt  }
0x70: {  	_ =	shalt  }
0x71: {  	_ =	shalt  }
0x72: {  	_ =	shalt  }
0x73: {  	_ =	shalt  }
0x74: {  	_ =	shalt  }
0x75: {  	_ =	shalt  }
0x76: {  	_ =	shalt  }
0x77: {  	_ =	shalt  }
0x78: {  	_ =	shalt  }
0x79: {  	_ =	shalt  }
0x7a: {  	_ =	shalt  }
0x7b: {  	_ =	shalt  }
0x7c: {  	_ =	shalt  }
0x7d: {  	_ =	shalt  }
0x7e: {  	_ =	shalt  }
0x7f: {  	_ =	shalt  }
0x80: {  	_ =	shalt  }
0x81: {  	_ =	shalt  }
0x82: {  	_ =	shalt  }
0x83: {  	_ =	shalt  }
0x84: {  	_ =	shalt  }
0x85: {  	_ =	shalt  }
0x86: {  	_ =	shalt  }
0x87: {  	_ =	shalt  }
.Lfunc_end0:
.L_simem_size_0:
called_computation_lowered:
.L_overlay_start_0:
0x88: {  	s2 =	sld [smem:$0x3FD9]  }
0x89: {  	s3 =	sld [smem:$0x3FFE];
	_ =	sdelay $0x1  }
0x8a: {  	s1 =	srdreg.scid  }
0x8b: {  	s0 =	sand.u32 $0x1, s1  }
0x8c: {  	s16 =	sshll.u32 s0, $0xA;
	s2 =	sadd.s32 s3, s2  }
0x8d: {  	s2 =	sadd.s32 s2, s16  }
0x8e: {  	[smem:$0x3FC2] =	sst s2  }
0x8f: {  	_ = 	snop  }
0x90: {  	(tm) =	ssettm $0x1  }
0x91: {  	s17 =	sld [smem:$0x3FFB];
	_ =	sdelay $0x3  }
0x92: {  	_ =	strace s17  }
0x93: {  	s2 =	sld [smem:$0x3FFC];
	_ =	sdelay $0x3  }
0x94: {  	_ =	strace s2  }
0x95: {  	s2 =	sld [smem:$0x3FFD];
	_ =	sdelay $0x3  }
0x96: {  	_ =	strace s2  }
0x97: {  	_ =	strace $0x8FFFFFFF  }
0x98: {  	s18 =	sld [smem:$0x3FDB];
	_ =	sdelay $0x1  }
0x99: {  	s19 =	simm.s32 $_scs_section_size  }
0x9a: {  	s4 =	simm.s32 $_size__tile_overlayer_lowered;
	s5 =	simm.s32 $_tile_overlayer_lowered  }
0x9b: {  	s22 =	simm.s32 $0x1BFF;
	s21 =	sshll.u32 s5, $0x1;
	s2 =	sadd.s32 s19, s18  }
0x9c: {  	s6 =	simm.s32 $0x0;
	s20 =	sshll.u32 s4, $0x1;
	s4 =	sadd.s32 s21, s2  }
0x9d: {  	[timem:s6], [sflag:s22] =	dma.local [hbm:s4], s20  }
0x9e: {  	_ =	swait.ge [sflag:s22], s20  }
0x9f: {  	s3 =	ssub.s32 $0x0, s20;
	[sflag:s22] =	ssyncset.done $0x0  }
0xa0: {  	[sflag:s22] =	ssyncadd.s32 s3;
	_ =	sdelay $0x1  }
0xa1: {  	s23 =	simm.s32 $0x1B8B  }
0xa2: {  	_ =	swait.ge [sflag:s23], $0x1  }
0xa3: {  	[sflag:s23] =	ssyncset.done $0x0  }
0xa4: {  	s25 =	simm.s32 $0x1B8E;
	s24 =	sld [smem:$0x3FFE];
	[sflag:s23] =	ssyncadd.s32 $0xFFFFFFFF  }
0xa5: {  	s26 =	simm.s32 $execute0_lowered;
	[smem:$0x3FD2] =	sst s25  }
0xa6: {  	s4 =	sshll.u32 s26, $0x1;
	_ =	strace $0x80000046;
	[dreg:$0x1] =	wrdreg $0xFFFFFFFF  }
0xa7: {  	s28 =	simm.s32 $_size_execute0_lowered;
	s2 =	sadd.s32 s2, s4;
	[dreg:$0x0] =	wrdreg $0x0  }
0xa8: {  	s4 =	sshll.u32 s28, $0x1;
	[dreg:$0x2] =	wrdreg s2  }
0xa9: {  	[dreg:$0x3] =	wrdreg s4  }
0xaa: {  	[dreg:$0x4] =	wrdreg $0xC0  }
0xab: {  	_ =	task [dreg:s6], $0x5FFFF  }
0xac: {  	[dreg:$0x1] =	wrdreg $0xFFFFFFFF  }
0xad: {  	[dreg:$0x0] =	wrdreg $0x60  }
0xae: {  	[dreg:$0x2] =	wrdreg s24  }
0xaf: {  	[dreg:$0x3] =	wrdreg $0x147400  }
0xb0: {  	[dreg:$0x4] =	wrdreg $0x197400  }
0xb1: {  	[dreg:$0x5] =	wrdreg $0x9  }
0xb2: {  	_ =	task.clear_ibuf [dreg:s6], $0x6FFFF;
	_ =	strace $0x90000046  }
0xb3: {  	s29 =	simm.s32 $0x9;
	_ =	strace $0x80000048  }
0xb4: {  	_ =	swait.ge [sflag:s29], $0x1  }
0xb5: {  	[sflag:s29] =	ssyncadd.s32 $0xFFFFFFFF  }
0xb6: {  	_ =	strace $0x90000048  }
0xb7: {  	_ =	sfence  }
0xb8: {  	s30 =	sld [smem:$0x0];
	_ =	sdelay $0x2  }
0xb9: {  	s31 =	sshll.u32 s1, $0xD;
	s1 =	sshrl.u32 s1, $0x2  }
0xba: {  	s3 =	sand.u32 $0x4000, s31;
	s1 =	sadd.s32 s1, s30  }
0xbb: {  	s0 =	sor.u32 s3, s0;
	s1 =	sshll.u32 s1, $0x11  }
0xbc: {  	s0 =	sor.u32 s1, s0  }
0xbd: {  	s0 =	sadd.s32 $0x8F2B, s0  }
0xbe: {  	[sflag:s0] =	ssyncadd.remote.s32 $0x1  }
0xbf: {  	_ =	sfence.sel $0xFFFF  }
0xc0: {  	[dreg:$0x0] =	wrdreg $0xFFFFFFFF;
	(pc) =	sbr.abs _section_cstart, $3  }
0xc1: {  	[dreg:$0x1] =	wrdreg $0xFFFFFFFF  }
0xc2: {  	_ =	task.clear_ibuf [dreg:s6], $0x2FFFF;
	_ =	strace $0x9FFFFFFF  }
0xc3: {  	(tm) =	ssettm $0x7FFFFFFF  }
tec
execute0_lowered:
.L_overlay_start_1:
0x0: {  	(tag) =	ssettag $0x1  }
0x1: {  	s1 =	rddreg [dreg:$0x0]  }
0x2: {  	s2 =	rddreg [dreg:$0x1];
	s11 =	stileid.u32  }
0x3: {  	s3 =	srdreg.scid;
	s4 =	rddreg [dreg:$0x2];
	s7 =	simm.s32 $0x0  }
0x4: {  	s28 =	simm.s32 $0x12440;
	s29 =	simm.s32 $0x2;
	s30 =	simm.s32 $0x13240  }
0x5: {  	s31 =	simm.s32 $0x3;
	s17 =	simm.s32 $0x8;
	s0 =	smul.u32 $0x9D8, s11  }
0x6: {  	s5 =	sand.u32 $0x1, s3;
	s18 =	smul.u32 $0xA000, s11;
	[smem:$0x7FF] =	sst s7  }
0x7: {  	s19 =	smul.u32 $0x2800, s11;
	s9 =	sadd.s32 $0x1D800, s1;
	s20 =	sadd.s32 $0x1E200, s1  }
0x8: {  	s21 =	sadd.s32 $0x1E800, s1;
	_ =	strace $0x80000047;
	[dreg:$0x4] =	wrdreg s9  }
0x9: {  	s23 =	sshll.u32 s11, $0x6;
	s6 =	smul.u32 $0xA0000, s5;
	[dreg:$0x5] =	wrdreg s20  }
0xa: {  	s11 =	simm.s32 $0x0;
	s8 =	smul.u32 $0x28000, s5;
	[dreg:$0x6] =	wrdreg s21  }
0xb: {  	s22 =	ssub.s32 $0x2, s5;
	s9 =	sor.u32 $0x1C0E, s23;
	s20 =	simm.s32 $0xEC40  }
0xc: {  	p0 =	sne.s32 s5, $0x0;
	p1 =	seq.s32 s5, $0x0;
	s21 =	simm.s32 $0x9  }
0xd: {  	s23 =	simm.s32 $0x6;
	s0 =	sadd.s32 s0, s1;
	s10 =	sshrl.u32 s22, $0x1  }
0xe: {  	s3 =	sshrl.u32 s18, $0x1;
	s7 =	sadd.s32 s19, s4;
	[dreg:$0x7] =	wrdreg s9  }
0xf: {  	s6 =	sadd.s32 s18, s6;
	s8 =	sadd.s32 s19, s8;
	s10 =	ssub.s32 s22, s10  }
0x10: {  	s3 =	sadd.s32 s3, s2;
	s0 =	sadd.s32 $0x13A00, s0;
	s7 =	sshrl.u32 s7, $0x3  }
0x11: {  	s18 =	simm.s32 $0x70;
	s22 =	simm.s32 $0xFA40;
	s19 =	simm.s32 $0x5  }
0x12: {  	s6 =	sshrl.u32 s6, $0x4;
	s8 =	sshrl.u32 s8, $0x3;
	[dreg:$0x8] =	wrdreg s0  }
0x13: {  	s26 =	smax.u32 s10, $0x1;
	s10 =	simm.s32 $0xE;
	s0 =	simm.s32 $0x4  }
0x14: {  	[dreg:$0xd] =	wrdreg s7;
	s6 =	sadd.s32 s6, s1;
	s8 =	sadd.s32 s8, s1  }
0x15: {  	[dreg:$0xb] =	wrdreg s26;
	s26 =	simm.s32 $0x1;
	s24 =	sadd.s32 $0x28A00, s6  }
0x16: {  	s25 =	sadd.s32 $0x1EA00, s8;
	s6 =	sshrl.u32 s3, $0x3;
	[dreg:$0x9] =	wrdreg s24  }
0x17: {  	s3 =	simm.s32 $0x7;
	s8 =	simm.s32 $0xD;
	[dreg:$0xa] =	wrdreg s25  }
0x18: {  	v0 =	vmov s5;
	s24 =	simm.s32 $0x10840;
	s25 =	simm.s32 $0x11640;
	[dreg:$0xc] =	wrdreg s6  }
.LBB2_1:
0x19: {  	[dreg:$0xe] =	wrdreg s11  }
0x1a: {  	s5 =	rddreg [dreg:$0x4]  }
0x1b: {  	[spmem:s6], [sflag:s9] =	dma.local [hbm:s5], $0xA00  }
0x1c: {  	_ =	swait.ge [sflag:s10], $0xA00  }
0x1d: {  	[sflag:s10] =	ssyncset.done $0x0  }
0x1e: {  	s12 =	rddreg [dreg:$0x5];
	[sflag:s10] =	ssyncadd.s32 $0xFFFFF600  }
0x1f: {  	[spmem:s7], [sflag:s9] =	dma.local [hbm:s12], $0x500  }
0x20: {  	_ =	swait.ge [sflag:s10], $0x500  }
0x21: {  	[sflag:s10] =	ssyncset.done $0x0  }
0x22: {  	s13 =	simm.s32 $0x0;
	s14 =	rddreg [dreg:$0x8];
	[sflag:s10] =	ssyncadd.s32 $0xFFFFFB00  }
0x23: {  	[tilespmem:s13], [sflag:$0xE] =	stream.linear.gather [hbm4b:s14+s13], $0x4EC0, $0x38;
	[tilespmem:$0x1BF40] =	vst v63  }
0x24: {  	_ =	swait.ge [sflag:s10], $0x4EC0  }
0x25: {  	[sflag:s10] =	ssyncset.done $0x0  }
0x26: {  	s16 =	simm.s32 $0x14040;
	s15 =	rddreg [dreg:$0x6];
	[sflag:s10] =	ssyncadd.s32 $0xFFFFB140  }
0x27: {  	[tilespmem:s16], [sflag:$0xE] =	stream.linear.gather [hbm4b:s15+s13], $0x700, $0x38;
	[tilespmem:$0x1BF40] =	vst v63  }
0x28: {  	_ =	swait.ge [sflag:s10], $0x700  }
0x29: {  	[sflag:s10] =	ssyncset.done $0x0  }
0x2a: {  	s5 =	simm.s32 $0x0;
	[sflag:s10] =	ssyncadd.s32 $0xFFFFF900  }
0x2b: {  	v2 =	vld [tilespmem:s5+$0x60]  }
0x2c: {  	v3 =	vld [tilespmem:s5+$0x0]  }
0x2d: {  	v4 =	vld [tilespmem:s5+$0x10]  }
0x2e: {  	v5 =	vld [tilespmem:s5+$0x20]  }
0x2f: {  	v6 =	vld [tilespmem:s5+$0x30]  }
0x30: {  	v1 =	vld [tilespmem:s5+$0x40];
	v7 =	vshll.u32 v2, $0x1;
	v8 =	vshrl.u32 v2, $0xE  }
0x31: {  	v2 =	vld [tilespmem:s5+$0x50];
	v9 =	vshll.u32 v3, $0x1;
	v3 =	vshrl.u32 v3, $0xE;
	v7 =	vand.u32 $0x7FFE, v7;
	[tilespmem:s5+$0x9DE0] =	vst v8  }
0x32: {  	v8 =	vand.u32 $0x7FFE, v9;
	[tilespmem:s5+$0x9D80] =	vst v3;
	v3 =	vshll.u32 v4, $0x1;
	v7 =	vor.u32 v0, v7  }
0x33: {  	v62 =	vshll.u32 v5, $0x1;
	v8 =	vor.u32 v0, v8;
	v3 =	vand.u32 $0x7FFE, v3;
	[tilespmem:s5+$0x4F20] =	vst v7  }
0x34: {  	[tilespmem:s5+$0x4EC0] =	vst v8;
	v3 =	vor.u32 v0, v3;
	v7 =	vand.u32 $0x7FFE, v62;
	v8 =	vshll.u32 v6, $0x1  }
0x35: {  	[tilespmem:s5+$0x4ED0] =	vst v3;
	v3 =	vor.u32 v0, v7;
	v7 =	vand.u32 $0x7FFE, v8;
	v8 =	vshll.u32 v1, $0x1  }
0x36: {  	[tilespmem:s5+$0x4EE0] =	vst v3;
	v7 =	vor.u32 v0, v7;
	v8 =	vand.u32 $0x7FFE, v8;
	v63 =	vshll.u32 v2, $0x1  }
0x37: {  	v5 =	vshrl.u32 v5, $0xE;
	[tilespmem:s5+$0x4EF0] =	vst v7;
	v7 =	vor.u32 v0, v8;
	v8 =	vand.u32 $0x7FFE, v63  }
0x38: {  	s6 =	simm.s32 $0x70;
	s7 =	simm.s32 $0x380;
	v3 =	vshrl.u32 v4, $0xE;
	v4 =	vshrl.u32 v6, $0xE;
	[tilespmem:s5+$0x4F00] =	vst v7;
	v6 =	vor.u32 v0, v8  }
.LBB2_2:
0x39: {  	p2 =	sne.s32 s7, $0x13940;
	v7 =	vld [tilespmem:s6+$0x60];
	v1 =	vshrl.u32 v1, $0xE;
	[tilespmem:s5+$0x4F10] =	vst v6;
	v2 =	vshrl.u32 v2, $0xE  }
0x3a: {  	v6 =	vld [tilespmem:s6+$0x0];
	[tilespmem:s5+$0x9D90] =	vst v3  }
0x3b: {  	v3 =	vld [tilespmem:s6+$0x10];
	[tilespmem:s5+$0x9DA0] =	vst v5  }
0x3c: {  	v5 =	vld [tilespmem:s6+$0x20];
	[tilespmem:s5+$0x9DB0] =	vst v4  }
0x3d: {  	v4 =	vld [tilespmem:s6+$0x30];
	[tilespmem:s5+$0x9DC0] =	vst v1  }
0x3e: {  	v1 =	vld [tilespmem:s6+$0x40];
	v8 =	vshll.u32 v7, $0x1;
	v7 =	vshrl.u32 v7, $0xE;
	[tilespmem:s5+$0x9DD0] =	vst v2;
	s5 =	smov.u32 s6  }
0x3f: {  	v9 =	vshll.u32 v6, $0x1;
	v6 =	vshrl.u32 v6, $0xE;
	v2 =	vld [tilespmem:s5+$0x50];
	v8 =	vand.u32 $0x7FFE, v8;
	[tilespmem:s5+$0x9DE0] =	vst v7  }
0x40: {  	v7 =	vand.u32 $0x7FFE, v9;
	[tilespmem:s5+$0x9D80] =	vst v6;
	v6 =	vshll.u32 v3, $0x1;
	v8 =	vor.u32 v0, v8  }
0x41: {  	v7 =	vor.u32 v0, v7;
	v6 =	vand.u32 $0x7FFE, v6;
	v9 =	vshll.u32 v5, $0x1;
	[tilespmem:s5+$0x4F20] =	vst v8  }
.Ltmp0:
0x42: {  	[tilespmem:s5+$0x4EC0] =	vst v7;
	v6 =	vor.u32 v0, v6;
	v7 =	vand.u32 $0x7FFE, v9;
	v8 =	vshll.u32 v4, $0x1;
	(pc) =	sbr.rel @p2 .LBB2_2-.Ltmp0, $4  }
0x43: {  	[tilespmem:s5+$0x4ED0] =	vst v6;
	v6 =	vor.u32 v0, v7;
	v7 =	vand.u32 $0x7FFE, v8;
	v8 =	vshll.u32 v1, $0x1  }
0x44: {  	[tilespmem:s5+$0x4EE0] =	vst v6;
	v6 =	vor.u32 v0, v7;
	v7 =	vand.u32 $0x7FFE, v8;
	v8 =	vshll.u32 v2, $0x1  }
0x45: {  	v3 =	vshrl.u32 v3, $0xE;
	[tilespmem:s5+$0x4EF0] =	vst v6;
	v6 =	vor.u32 v0, v7;
	v7 =	vand.u32 $0x7FFE, v8  }
0x46: {  	s6 =	sshra.s32 s7, $0x2;
	s7 =	sadd.s32 $0x1C0, s7;
	v5 =	vshrl.u32 v5, $0xE;
	v4 =	vshrl.u32 v4, $0xE;
	[tilespmem:s5+$0x4F00] =	vst v6;
	v6 =	vor.u32 v0, v7  }
0x47: {  	v7 =	vld [tilespmem:s6+$0x60];
	[tilespmem:s5+$0x4F10] =	vst v6  }
0x48: {  	v6 =	vld [tilespmem:s6+$0x0];
	[tilespmem:s5+$0x9D90] =	vst v3  }
0x49: {  	v3 =	vld [tilespmem:s6+$0x10];
	[tilespmem:s5+$0x9DA0] =	vst v5  }
0x4a: {  	v1 =	vshrl.u32 v1, $0xE;
	v5 =	vld [tilespmem:s6+$0x20];
	[tilespmem:s5+$0x9DB0] =	vst v4  }
0x4b: {  	v4 =	vld [tilespmem:s6+$0x30];
	[tilespmem:s5+$0x9DC0] =	vst v1;
	v1 =	vshrl.u32 v2, $0xE  }
0x4c: {  	v2 =	vld [tilespmem:s6+$0x40];
	[tilespmem:s5+$0x9DD0] =	vst v1;
	v1 =	vshll.u32 v7, $0x1;
	v7 =	vshrl.u32 v7, $0xE  }
0x4d: {  	v9 =	vshll.u32 v6, $0x1;
	v6 =	vshrl.u32 v6, $0xE;
	v1 =	vand.u32 $0x7FFE, v1;
	[tilespmem:s6+$0x9DE0] =	vst v7  }
0x4e: {  	[tilespmem:s6+$0x9D80] =	vst v6;
	v1 =	vor.u32 v0, v1  }
0x4f: {  	v8 =	vld [tilespmem:s6+$0x50];
	v54 =	vand.u32 $0x7FFE, v9;
	v55 =	vshll.u32 v3, $0x1;
	v3 =	vshrl.u32 v3, $0xE;
	[tilespmem:s6+$0x4F20] =	vst v1  }
0x50: {  	v7 =	vor.u32 v0, v54;
	v6 =	vand.u32 $0x7FFE, v55;
	[tilespmem:s6+$0x9D90] =	vst v3  }
0x51: {  	v56 =	vshll.u32 v5, $0x1;
	[tilespmem:s6+$0x4EC0] =	vst v7;
	v1 =	vor.u32 v0, v6  }
0x52: {  	v57 =	vand.u32 $0x7FFE, v56;
	v58 =	vshll.u32 v4, $0x1;
	v3 =	vshrl.u32 v4, $0xE;
	[tilespmem:s6+$0x4ED0] =	vst v1  }
0x53: {  	v1 =	vor.u32 v0, v57;
	v59 =	vand.u32 $0x7FFE, v58;
	v60 =	vshll.u32 v2, $0x1;
	[tilespmem:s6+$0x9DB0] =	vst v3  }
0x54: {  	[tilespmem:s6+$0x4EE0] =	vst v1;
	v1 =	vor.u32 v0, v59;
	v61 =	vand.u32 $0x7FFE, v60;
	v62 =	vshll.u32 v8, $0x1  }
0x55: {  	[tilespmem:s6+$0x4EF0] =	vst v1;
	v1 =	vor.u32 v0, v61;
	v63 =	vand.u32 $0x7FFE, v62  }
0x56: {  	[tilespmem:s6+$0x4F00] =	vst v1;
	v1 =	vor.u32 v0, v63  }
0x57: {  	[tilespmem:s6+$0x4F10] =	vst v1;
	v1 =	vshrl.u32 v5, $0xE  }
0x58: {  	[tilespmem:s6+$0x9DA0] =	vst v1;
	v1 =	vshrl.u32 v2, $0xE  }
0x59: {  	v2 =	vshrl.u32 v8, $0xE;
	[tilespmem:s6+$0x9DC0] =	vst v1  }
0x5a: {  	[tilespmem:s6+$0x9DD0] =	vst v2  }
0x5b: {  	s11 =	simm.s32 $0x4EC0;
	p2 =	por $0x1, $0x1;
	[bflag:$0x0] =	sbarrier.arrive $0xFFFF  }
0x5c: {  	[tilespmem:s20], [sflag:$0x1] =	stream.indirect.gather [hbm4b:s1+s18], $0x20, s11, s18, $0xb8;
	[tilespmem:$0x1BF40] =	vst v63  }
0x5d: {  	s12 =	simm.s32 $0x4F30;
	p2 =	por p2, p2  }
0x5e: {  	[tilespmem:s22], [sflag:$0x2] =	stream.indirect.gather [hbm4b:s1+s18], $0x20, s12, s18, $0xb8;
	[tilespmem:$0x1BF40] =	vst v63  }
0x5f: {  	s13 =	simm.s32 $0x4FA0;
	s5 =	simm.s32 @!p2 $0xA  }
0x60: {  	[tilespmem:s24], [sflag:$0x3] =	stream.indirect.gather [hbm4b:s1+s18], $0x20, s13, s18, $0xb8;
	[tilespmem:$0x1BF40] =	vst v63  }
0x61: {  	_ =	swait.ge @!p2 [sflag:s5], $0xE00  }
0x62: {  	[sflag:s5] =	ssyncset.done @!p2 $0x0  }
0x63: {  	s14 =	simm.s32 $0x5010;
	[sflag:s5] =	ssyncadd.s32 @!p2 $0xFFFFF200  }
0x64: {  	[tilespmem:s25], [sflag:$0x4] =	stream.indirect.gather [hbm4b:s1+s18], $0x20, s14, s18, $0xb8;
	[tilespmem:$0x1BF40] =	vst v63  }
0x65: {  	_ =	swait.ge [sflag:s26], $0xE00  }
0x66: {  	[sflag:s26] =	ssyncset.done $0x0  }
0x67: {  	s5 =	simm.s32 $0x9D80;
	[sflag:s26] =	ssyncadd.s32 $0xFFFFF200  }
0x68: {  	[spmem:s2] =	stream.indirect.scatter.add.bf16 [tilespmem:s20], [sflag:$0x7], $0x20, s5, s18, $0xb8;
	[tilespmem:$0x1BF40] =	vst v63  }
0x69: {  	s6 =	simm.s32 @!p2 $0xB;
	s11 =	simm.s32 @!p0 $0x70;
	s12 =	simm.s32 @!p0 $0x14040  }
0x6a: {  	[spmem:s4] =	stream.indirect.scatter.add.f32 @!p0 [tilespmem:s12], [sflag:$0xD], $0x10, s5, s11, $0xb8;
	[tilespmem:$0x1BF40] =	vst v63  }
0x6b: {  	_ =	swait.ge @!p2 [sflag:s6], $0xE00  }
0x6c: {  	[sflag:s6] =	ssyncset.done @!p2 $0x0  }
0x6d: {  	s15 =	simm.s32 $0x5080;
	[sflag:s6] =	ssyncadd.s32 @!p2 $0xFFFFF200  }
0x6e: {  	[tilespmem:s28], [sflag:$0x5] =	stream.indirect.gather [hbm4b:s1+s18], $0x20, s15, s18, $0xb8;
	[tilespmem:$0x1BF40] =	vst v63  }
0x6f: {  	_ =	swait.ge [sflag:s29], $0xE00  }
0x70: {  	[sflag:s29] =	ssyncset.done $0x0  }
0x71: {  	s6 =	simm.s32 $0x9DF0;
	[sflag:s29] =	ssyncadd.s32 $0xFFFFF200  }
0x72: {  	[spmem:s2] =	stream.indirect.scatter.add.bf16 [tilespmem:s22], [sflag:$0x8], $0x20, s6, s18, $0xb8;
	[tilespmem:$0x1BF40] =	vst v63  }
0x73: {  	s7 =	simm.s32 @!p2 $0xC;
	s13 =	simm.s32 @!p1 $0x70;
	s5 =	simm.s32 @!p1 $0x14040  }
0x74: {  	[spmem:s4] =	stream.indirect.scatter.add.f32 @!p1 [tilespmem:s5], [sflag:$0xD], $0x10, s6, s13, $0xb8;
	[tilespmem:$0x1BF40] =	vst v63  }
0x75: {  	_ =	swait.ge @!p2 [sflag:s7], $0xE00  }
0x76: {  	[sflag:s7] =	ssyncset.done @!p2 $0x0  }
0x77: {  	s16 =	simm.s32 $0x50F0;
	[sflag:s7] =	ssyncadd.s32 @!p2 $0xFFFFF200  }
0x78: {  	[tilespmem:s30], [sflag:$0x6] =	stream.indirect.gather [hbm4b:s1+s18], $0x20, s16, s18, $0xb8;
	[tilespmem:$0x1BF40] =	vst v63  }
0x79: {  	_ =	swait.ge [sflag:s31], $0xE00  }
0x7a: {  	[sflag:s31] =	ssyncset.done $0x0  }
0x7b: {  	s6 =	simm.s32 $0x9E60;
	[sflag:s31] =	ssyncadd.s32 $0xFFFFF200  }
0x7c: {  	[spmem:s2] =	stream.indirect.scatter.add.bf16 [tilespmem:s24], [sflag:$0x9], $0x20, s6, s18, $0xb8;
	[tilespmem:$0x1BF40] =	vst v63  }
0x7d: {  	_ = 	snop  }
0x7e: {  	[spmem:s4] =	stream.indirect.scatter.add.f32 @!p0 [tilespmem:s12], [sflag:$0xD], $0x10, s6, s11, $0xb8;
	[tilespmem:$0x1BF40] =	vst v63  }
0x7f: {  	p2 =	por $0x0, $0x0;
	_ =	swait.ge [sflag:s3], $0xE00  }
0x80: {  	s7 =	simm.s32 @!p2 $0x5160;
	[sflag:s3] =	ssyncset.done $0x0  }
0x81: {  	s14 =	simm.s32 @!p2 $0x70;
	s6 =	simm.s32 @!p2 $0xEC40;
	[sflag:s3] =	ssyncadd.s32 $0xFFFFF200  }
0x82: {  	[tilespmem:s6], [sflag:$0x1] =	stream.indirect.gather @!p2 [hbm4b:s1+s14], $0x20, s7, s14, $0xb8;
	[tilespmem:$0x1BF40] =	vst v63  }
0x83: {  	_ =	swait.ge [sflag:s0], $0xE00  }
0x84: {  	[sflag:s0] =	ssyncset.done $0x0  }
0x85: {  	s6 =	simm.s32 $0x9ED0;
	[sflag:s0] =	ssyncadd.s32 $0xFFFFF200  }
0x86: {  	[spmem:s2] =	stream.indirect.scatter.add.bf16 [tilespmem:s25], [sflag:$0xA], $0x20, s6, s18, $0xb8;
	[tilespmem:$0x1BF40] =	vst v63  }
0x87: {  	_ = 	snop  }
0x88: {  	[spmem:s4] =	stream.indirect.scatter.add.f32 @!p1 [tilespmem:s5], [sflag:$0xD], $0x10, s6, s13, $0xb8;
	[tilespmem:$0x1BF40] =	vst v63  }
0x89: {  	_ =	swait.ge [sflag:s17], $0xE00  }
0x8a: {  	[sflag:s17] =	ssyncset.done $0x0  }
0x8b: {  	s7 =	simm.s32 @!p2 $0xFA40;
	s6 =	simm.s32 @!p2 $0x51D0;
	[sflag:s17] =	ssyncadd.s32 $0xFFFFF200  }
0x8c: {  	[tilespmem:s7], [sflag:$0x2] =	stream.indirect.gather @!p2 [hbm4b:s1+s14], $0x20, s6, s14, $0xb8;
	[tilespmem:$0x1BF40] =	vst v63  }
0x8d: {  	_ =	swait.ge [sflag:s19], $0xE00  }
0x8e: {  	[sflag:s19] =	ssyncset.done $0x0  }
0x8f: {  	s6 =	simm.s32 $0x9F40;
	[sflag:s19] =	ssyncadd.s32 $0xFFFFF200  }
0x90: {  	[spmem:s2] =	stream.indirect.scatter.add.bf16 [tilespmem:s28], [sflag:$0xB], $0x20, s6, s18, $0xb8;
	[tilespmem:$0x1BF40] =	vst v63  }
0x91: {  	_ = 	snop  }
0x92: {  	[spmem:s4] =	stream.indirect.scatter.add.f32 @!p0 [tilespmem:s12], [sflag:$0xD], $0x10, s6, s11, $0xb8;
	[tilespmem:$0x1BF40] =	vst v63  }
0x93: {  	_ =	swait.ge [sflag:s21], $0xE00  }
0x94: {  	[sflag:s21] =	ssyncset.done $0x0  }
0x95: {  	s7 =	simm.s32 @!p2 $0x10840;
	s6 =	simm.s32 @!p2 $0x5240;
	[sflag:s21] =	ssyncadd.s32 $0xFFFFF200  }
0x96: {  	[tilespmem:s7], [sflag:$0x3] =	stream.indirect.gather @!p2 [hbm4b:s1+s14], $0x20, s6, s14, $0xb8;
	[tilespmem:$0x1BF40] =	vst v63  }
0x97: {  	p6 =	por $0x0, $0x0;
	_ =	swait.ge [sflag:s23], $0xE00  }
0x98: {  	s14 =	simm.s32 $0x9FB0;
	s6 =	simm.s32 $0xA80;
	[sflag:s23] =	ssyncset.done $0x0  }
0x99: {  	s7 =	simm.s32 $0x1500;
	p2 =	por p6, p6;
	[sflag:s23] =	ssyncadd.s32 $0xFFFFF200  }
0x9a: {  	[spmem:s2] =	stream.indirect.scatter.add.bf16 [tilespmem:s30], [sflag:$0xC], $0x20, s14, s18, $0xb8;
	[tilespmem:$0x1BF40] =	vst v63  }
.LBB2_4:
0x9b: {  	[spmem:s4] =	stream.indirect.scatter.add.f32 @!p1 [tilespmem:s5], [sflag:$0xD], $0x10, s14, s13, $0xb8;
	[tilespmem:$0x1BF40] =	vst v63  }
0x9c: {  	s16 =	smov.u32 s7  }
0x9d: {  	s7 =	sadd.s32 $0xA80, s7;
	s9 =	simm.s32 @!p2 $0xA;
	p4 =	seq.s32 s16, $0x0  }
0x9e: {  	p3 =	sne.s32 s7, $0x13B00;
	_ =	swait.ge @!p2 [sflag:s9], $0xE00  }
0x9f: {  	s14 =	sshra.s32 s6, $0x2;
	[sflag:s9] =	ssyncset.done @!p2 $0x0  }
0xa0: {  	[sflag:s9] =	ssyncadd.s32 @!p2 $0xFFFFF200;
	s9 =	sadd.s32 $0x5010, s14  }
0xa1: {  	[tilespmem:s25], [sflag:$0x4] =	stream.indirect.gather [hbm4b:s1+s18], $0x20, s9, s18, $0xb8;
	[tilespmem:$0x1BF40] =	vst v63  }
0xa2: {  	_ =	swait.ge [sflag:s26], $0xE00  }
0xa3: {  	[sflag:s26] =	ssyncset.done $0x0  }
0xa4: {  	s9 =	sadd.s32 $0x9D80, s14;
	[sflag:s26] =	ssyncadd.s32 $0xFFFFF200  }
0xa5: {  	[spmem:s2] =	stream.indirect.scatter.add.bf16 [tilespmem:s20], [sflag:$0x7], $0x20, s9, s18, $0xb8;
	[tilespmem:$0x1BF40] =	vst v63  }
0xa6: {  	s10 =	simm.s32 @!p2 $0xB  }
0xa7: {  	[spmem:s4] =	stream.indirect.scatter.add.f32 @!p0 [tilespmem:s12], [sflag:$0xD], $0x10, s9, s11, $0xb8;
	[tilespmem:$0x1BF40] =	vst v63  }
0xa8: {  	_ =	swait.ge @!p2 [sflag:s10], $0xE00  }
0xa9: {  	[sflag:s10] =	ssyncset.done @!p2 $0x0  }
0xaa: {  	s9 =	sadd.s32 $0x5080, s14;
	[sflag:s10] =	ssyncadd.s32 @!p2 $0xFFFFF200  }
0xab: {  	[tilespmem:s28], [sflag:$0x5] =	stream.indirect.gather [hbm4b:s1+s18], $0x20, s9, s18, $0xb8;
	[tilespmem:$0x1BF40] =	vst v63  }
0xac: {  	_ =	swait.ge [sflag:s29], $0xE00  }
0xad: {  	[sflag:s29] =	ssyncset.done $0x0  }
0xae: {  	s9 =	sadd.s32 $0x9DF0, s14;
	[sflag:s29] =	ssyncadd.s32 $0xFFFFF200  }
0xaf: {  	[spmem:s2] =	stream.indirect.scatter.add.bf16 [tilespmem:s22], [sflag:$0x8], $0x20, s9, s18, $0xb8;
	[tilespmem:$0x1BF40] =	vst v63  }
0xb0: {  	s10 =	simm.s32 @!p2 $0xC  }
0xb1: {  	[spmem:s4] =	stream.indirect.scatter.add.f32 @!p1 [tilespmem:s5], [sflag:$0xD], $0x10, s9, s13, $0xb8;
	[tilespmem:$0x1BF40] =	vst v63  }
0xb2: {  	_ =	swait.ge @!p2 [sflag:s10], $0xE00  }
0xb3: {  	[sflag:s10] =	ssyncset.done @!p2 $0x0  }
0xb4: {  	s9 =	sadd.s32 $0x50F0, s14;
	[sflag:s10] =	ssyncadd.s32 @!p2 $0xFFFFF200;
	p2 =	por p4, p4  }
0xb5: {  	[tilespmem:s30], [sflag:$0x6] =	stream.indirect.gather [hbm4b:s1+s18], $0x20, s9, s18, $0xb8;
	[tilespmem:$0x1BF40] =	vst v63  }
0xb6: {  	_ =	swait.ge [sflag:s31], $0xE00  }
0xb7: {  	[sflag:s31] =	ssyncset.done $0x0  }
0xb8: {  	s9 =	sadd.s32 $0x9E60, s14;
	[sflag:s31] =	ssyncadd.s32 $0xFFFFF200  }
0xb9: {  	[spmem:s2] =	stream.indirect.scatter.add.bf16 [tilespmem:s24], [sflag:$0x9], $0x20, s9, s18, $0xb8;
	[tilespmem:$0x1BF40] =	vst v63  }
0xba: {  	_ = 	snop  }
0xbb: {  	[spmem:s4] =	stream.indirect.scatter.add.f32 @!p0 [tilespmem:s12], [sflag:$0xD], $0x10, s9, s11, $0xb8;
	[tilespmem:$0x1BF40] =	vst v63  }
0xbc: {  	p4 =	seq.s32 s6, $0x13080;
	_ =	swait.ge [sflag:s3], $0xE00  }
0xbd: {  	s6 =	sshra.s32 @!p4 s6, $0x2;
	s9 =	simm.s32 @!p4 $0xEC40;
	[sflag:s3] =	ssyncset.done $0x0  }
0xbe: {  	s15 =	simm.s32 @!p4 $0x70;
	s10 =	sadd.s32 @!p4 $0x5160, s6;
	[sflag:s3] =	ssyncadd.s32 $0xFFFFF200  }
0xbf: {  	[tilespmem:s9], [sflag:$0x1] =	stream.indirect.gather @!p4 [hbm4b:s1+s15], $0x20, s10, s15, $0xb8;
	[tilespmem:$0x1BF40] =	vst v63  }
0xc0: {  	s9 =	sadd.s32 @!p4 $0x51D0, s6;
	s10 =	sadd.s32 @!p4 $0x5240, s6;
	_ =	swait.ge [sflag:s0], $0xE00  }
0xc1: {  	s6 =	smov.u32 s16;
	[sflag:s0] =	ssyncset.done $0x0  }
0xc2: {  	s16 =	sadd.s32 $0x9ED0, s14;
	[sflag:s0] =	ssyncadd.s32 $0xFFFFF200  }
0xc3: {  	[spmem:s2] =	stream.indirect.scatter.add.bf16 [tilespmem:s25], [sflag:$0xA], $0x20, s16, s18, $0xb8;
	[tilespmem:$0x1BF40] =	vst v63  }
0xc4: {  	_ = 	snop  }
0xc5: {  	[spmem:s4] =	stream.indirect.scatter.add.f32 @!p1 [tilespmem:s5], [sflag:$0xD], $0x10, s16, s13, $0xb8;
	[tilespmem:$0x1BF40] =	vst v63  }
0xc6: {  	_ =	swait.ge [sflag:s17], $0xE00  }
0xc7: {  	[sflag:s17] =	ssyncset.done $0x0  }
0xc8: {  	s16 =	simm.s32 @!p4 $0xFA40;
	[sflag:s17] =	ssyncadd.s32 $0xFFFFF200  }
0xc9: {  	[tilespmem:s16], [sflag:$0x2] =	stream.indirect.gather @!p4 [hbm4b:s1+s15], $0x20, s9, s15, $0xb8;
	[tilespmem:$0x1BF40] =	vst v63  }
0xca: {  	_ =	swait.ge [sflag:s19], $0xE00  }
0xcb: {  	[sflag:s19] =	ssyncset.done $0x0  }
0xcc: {  	s9 =	sadd.s32 $0x9F40, s14;
	[sflag:s19] =	ssyncadd.s32 $0xFFFFF200  }
0xcd: {  	[spmem:s2] =	stream.indirect.scatter.add.bf16 [tilespmem:s28], [sflag:$0xB], $0x20, s9, s18, $0xb8;
	[tilespmem:$0x1BF40] =	vst v63  }
0xce: {  	_ = 	snop  }
0xcf: {  	[spmem:s4] =	stream.indirect.scatter.add.f32 @!p0 [tilespmem:s12], [sflag:$0xD], $0x10, s9, s11, $0xb8;
	[tilespmem:$0x1BF40] =	vst v63  }
0xd0: {  	_ =	swait.ge [sflag:s21], $0xE00  }
0xd1: {  	[sflag:s21] =	ssyncset.done $0x0  }
0xd2: {  	s9 =	simm.s32 @!p4 $0x10840;
	[sflag:s21] =	ssyncadd.s32 $0xFFFFF200  }
0xd3: {  	[tilespmem:s9], [sflag:$0x3] =	stream.indirect.gather @!p4 [hbm4b:s1+s15], $0x20, s10, s15, $0xb8;
	[tilespmem:$0x1BF40] =	vst v63  }
.Ltmp1:
0xd4: {  	_ = 	snop;
	(pc) =	sbr.rel @p3 .LBB2_4-.Ltmp1, $4  }
0xd5: {  	_ =	swait.ge [sflag:s23], $0xE00  }
0xd6: {  	[sflag:s23] =	ssyncset.done $0x0  }
0xd7: {  	s14 =	sadd.s32 $0x9FB0, s14;
	[sflag:s23] =	ssyncadd.s32 $0xFFFFF200  }
0xd8: {  	[spmem:s2] =	stream.indirect.scatter.add.bf16 [tilespmem:s30], [sflag:$0xC], $0x20, s14, s18, $0xb8;
	[tilespmem:$0x1BF40] =	vst v63  }
0xd9: {  	[spmem:s4] =	stream.indirect.scatter.add.f32 @!p1 [tilespmem:s5], [sflag:$0xD], $0x10, s14, s13, $0xb8;
	[tilespmem:$0x1BF40] =	vst v63  }
0xda: {  	s7 =	simm.s32 @!p2 $0xA  }
0xdb: {  	_ =	swait.ge @!p2 [sflag:s7], $0xE00  }
0xdc: {  	s16 =	sshra.s32 s6, $0x2;
	[sflag:s7] =	ssyncset.done @!p2 $0x0  }
0xdd: {  	s11 =	sadd.s32 $0x5010, s16;
	[sflag:s7] =	ssyncadd.s32 @!p2 $0xFFFFF200  }
0xde: {  	[tilespmem:s25], [sflag:$0x4] =	stream.indirect.gather [hbm4b:s1+s18], $0x20, s11, s18, $0xb8;
	[tilespmem:$0x1BF40] =	vst v63  }
0xdf: {  	_ =	swait.ge [sflag:s26], $0xE00  }
0xe0: {  	[sflag:s26] =	ssyncset.done $0x0  }
0xe1: {  	s7 =	sadd.s32 $0x9D80, s16;
	[sflag:s26] =	ssyncadd.s32 $0xFFFFF200  }
0xe2: {  	[spmem:s2] =	stream.indirect.scatter.add.bf16 [tilespmem:s20], [sflag:$0x7], $0x20, s7, s18, $0xb8;
	[tilespmem:$0x1BF40] =	vst v63  }
0xe3: {  	s9 =	simm.s32 @!p0 $0x70;
	s10 =	simm.s32 @!p0 $0x14040;
	s11 =	simm.s32 @!p2 $0xB  }
0xe4: {  	[spmem:s4] =	stream.indirect.scatter.add.f32 @!p0 [tilespmem:s10], [sflag:$0xD], $0x10, s7, s9, $0xb8;
	[tilespmem:$0x1BF40] =	vst v63  }
0xe5: {  	_ =	swait.ge @!p2 [sflag:s11], $0xE00  }
0xe6: {  	[sflag:s11] =	ssyncset.done @!p2 $0x0  }
0xe7: {  	s12 =	sadd.s32 $0x5080, s16;
	[sflag:s11] =	ssyncadd.s32 @!p2 $0xFFFFF200  }
0xe8: {  	[tilespmem:s28], [sflag:$0x5] =	stream.indirect.gather [hbm4b:s1+s18], $0x20, s12, s18, $0xb8;
	[tilespmem:$0x1BF40] =	vst v63  }
0xe9: {  	_ =	swait.ge [sflag:s29], $0xE00  }
0xea: {  	[sflag:s29] =	ssyncset.done $0x0  }
0xeb: {  	s7 =	sadd.s32 $0x9DF0, s16;
	[sflag:s29] =	ssyncadd.s32 $0xFFFFF200  }
0xec: {  	[spmem:s2] =	stream.indirect.scatter.add.bf16 [tilespmem:s22], [sflag:$0x8], $0x20, s7, s18, $0xb8;
	[tilespmem:$0x1BF40] =	vst v63  }
0xed: {  	s13 =	simm.s32 @!p2 $0xC;
	s11 =	simm.s32 @!p1 $0x70;
	s12 =	simm.s32 @!p1 $0x14040  }
0xee: {  	[spmem:s4] =	stream.indirect.scatter.add.f32 @!p1 [tilespmem:s12], [sflag:$0xD], $0x10, s7, s11, $0xb8;
	[tilespmem:$0x1BF40] =	vst v63  }
0xef: {  	_ =	swait.ge @!p2 [sflag:s13], $0xE00  }
0xf0: {  	[sflag:s13] =	ssyncset.done @!p2 $0x0  }
0xf1: {  	[sflag:s13] =	ssyncadd.s32 @!p2 $0xFFFFF200;
	s13 =	sadd.s32 $0x50F0, s16  }
0xf2: {  	[tilespmem:s30], [sflag:$0x6] =	stream.indirect.gather [hbm4b:s1+s18], $0x20, s13, s18, $0xb8;
	[tilespmem:$0x1BF40] =	vst v63  }
0xf3: {  	_ =	swait.ge [sflag:s31], $0xE00  }
0xf4: {  	[sflag:s31] =	ssyncset.done $0x0  }
0xf5: {  	s7 =	sadd.s32 $0x9E60, s16;
	[sflag:s31] =	ssyncadd.s32 $0xFFFFF200  }
0xf6: {  	[spmem:s2] =	stream.indirect.scatter.add.bf16 [tilespmem:s24], [sflag:$0x9], $0x20, s7, s18, $0xb8;
	[tilespmem:$0x1BF40] =	vst v63  }
0xf7: {  	_ = 	snop  }
0xf8: {  	[spmem:s4] =	stream.indirect.scatter.add.f32 @!p0 [tilespmem:s10], [sflag:$0xD], $0x10, s7, s9, $0xb8;
	[tilespmem:$0x1BF40] =	vst v63  }
0xf9: {  	p2 =	seq.s32 s6, $0x13080;
	_ =	swait.ge [sflag:s3], $0xE00  }
0xfa: {  	s6 =	sshra.s32 @!p2 s6, $0x2;
	s14 =	simm.s32 @!p2 $0x70;
	[sflag:s3] =	ssyncset.done $0x0  }
0xfb: {  	s13 =	sadd.s32 @!p2 $0x5160, s6;
	s7 =	simm.s32 @!p2 $0xEC40;
	[sflag:s3] =	ssyncadd.s32 $0xFFFFF200  }
0xfc: {  	[tilespmem:s7], [sflag:$0x1] =	stream.indirect.gather @!p2 [hbm4b:s1+s14], $0x20, s13, s14, $0xb8;
	[tilespmem:$0x1BF40] =	vst v63  }
0xfd: {  	_ =	swait.ge [sflag:s0], $0xE00  }
0xfe: {  	[sflag:s0] =	ssyncset.done $0x0  }
0xff: {  	s7 =	sadd.s32 $0x9ED0, s16;
	[sflag:s0] =	ssyncadd.s32 $0xFFFFF200  }
0x100: {  	[spmem:s2] =	stream.indirect.scatter.add.bf16 [tilespmem:s25], [sflag:$0xA], $0x20, s7, s18, $0xb8;
	[tilespmem:$0x1BF40] =	vst v63  }
0x101: {  	_ = 	snop  }
0x102: {  	[spmem:s4] =	stream.indirect.scatter.add.f32 @!p1 [tilespmem:s12], [sflag:$0xD], $0x10, s7, s11, $0xb8;
	[tilespmem:$0x1BF40] =	vst v63  }
0x103: {  	_ =	swait.ge [sflag:s17], $0xE00  }
0x104: {  	[sflag:s17] =	ssyncset.done $0x0  }
0x105: {  	s13 =	simm.s32 @!p2 $0xFA40;
	s7 =	sadd.s32 @!p2 $0x51D0, s6;
	[sflag:s17] =	ssyncadd.s32 $0xFFFFF200  }
0x106: {  	[tilespmem:s13], [sflag:$0x2] =	stream.indirect.gather @!p2 [hbm4b:s1+s14], $0x20, s7, s14, $0xb8;
	[tilespmem:$0x1BF40] =	vst v63  }
0x107: {  	_ =	swait.ge [sflag:s19], $0xE00  }
0x108: {  	[sflag:s19] =	ssyncset.done $0x0  }
0x109: {  	s7 =	sadd.s32 $0x9F40, s16;
	[sflag:s19] =	ssyncadd.s32 $0xFFFFF200  }
0x10a: {  	[spmem:s2] =	stream.indirect.scatter.add.bf16 [tilespmem:s28], [sflag:$0xB], $0x20, s7, s18, $0xb8;
	[tilespmem:$0x1BF40] =	vst v63  }
0x10b: {  	_ = 	snop  }
0x10c: {  	[spmem:s4] =	stream.indirect.scatter.add.f32 @!p0 [tilespmem:s10], [sflag:$0xD], $0x10, s7, s9, $0xb8;
	[tilespmem:$0x1BF40] =	vst v63  }
0x10d: {  	_ =	swait.ge [sflag:s21], $0xE00  }
0x10e: {  	[sflag:s21] =	ssyncset.done $0x0  }
0x10f: {  	s6 =	sadd.s32 @!p2 $0x5240, s6;
	s7 =	simm.s32 @!p2 $0x10840;
	[sflag:s21] =	ssyncadd.s32 $0xFFFFF200  }
0x110: {  	[tilespmem:s7], [sflag:$0x3] =	stream.indirect.gather @!p2 [hbm4b:s1+s14], $0x20, s6, s14, $0xb8;
	[tilespmem:$0x1BF40] =	vst v63  }
0x111: {  	_ =	swait.ge [sflag:s23], $0xE00  }
0x112: {  	[sflag:s23] =	ssyncset.done $0x0  }
0x113: {  	s5 =	sadd.s32 $0x9FB0, s16;
	[sflag:s23] =	ssyncadd.s32 $0xFFFFF200  }
0x114: {  	[spmem:s2] =	stream.indirect.scatter.add.bf16 [tilespmem:s30], [sflag:$0xC], $0x20, s5, s18, $0xb8;
	[tilespmem:$0x1BF40] =	vst v63  }
0x115: {  	s14 =	simm.s32 $0xA  }
0x116: {  	[spmem:s4] =	stream.indirect.scatter.add.f32 @!p1 [tilespmem:s12], [sflag:$0xD], $0x10, s5, s11, $0xb8;
	[tilespmem:$0x1BF40] =	vst v63  }
0x117: {  	_ =	swait.ge [sflag:s14], $0xE00  }
0x118: {  	[sflag:s14] =	ssyncset.done $0x0  }
0x119: {  	s15 =	simm.s32 $0xB;
	[sflag:s14] =	ssyncadd.s32 $0xFFFFF200  }
0x11a: {  	_ =	swait.ge [sflag:s15], $0xE00  }
0x11b: {  	[sflag:s15] =	ssyncset.done $0x0  }
0x11c: {  	s16 =	simm.s32 $0xC;
	[sflag:s15] =	ssyncadd.s32 $0xFFFFF200  }
0x11d: {  	_ =	swait.ge [sflag:s16], $0xE00  }
0x11e: {  	[sflag:s16] =	ssyncset.done $0x0  }
0x11f: {  	[sflag:s16] =	ssyncadd.s32 $0xFFFFF200  }
0x120: {  	_ =	swait.ge [sflag:s8], $0x700  }
0x121: {  	s5 =	simm.s32 $0x59;
	[sflag:s8] =	ssyncset.done $0x0  }
.LBB2_6:
0x122: {  	p2 =	sne.s32 s5, $0x1;
	s5 =	sadd.s32 $0xFFFFFFFF, s5;
	[sflag:s8] =	ssyncadd.s32 $0xFFFFF900  }
.Ltmp2:
0x123: {  	(pc) =	sbr.rel @p2 .LBB2_6-.Ltmp2, $3  }
0x124: {  	_ =	sdelay $0x1  }
0x125: {  	_ =	swait.ge [sflag:s8], $0x700  }
0x126: {  	[sflag:s8] =	ssyncset.done $0x0  }
0x127: {  	[sflag:s8] =	ssyncadd.s32 $0xFFFFF900  }
0x128: {  	[bflag:$0x0] =	sbarrier.arrive $0xFFFF  }
0x129: {  	s9 =	rddreg [dreg:$0x7]  }
0x12a: {  	s5 =	rddreg [dreg:$0x9]  }
0x12b: {  	s10 =	simm.s32 $0xE;
	s6 =	rddreg [dreg:$0xc]  }
0x12c: {  	[hbm:s5], [sflag:s9] =	dma.local [spmem:s6], $0xA00  }
0x12d: {  	_ =	swait.ge [sflag:s10], $0xA00  }
0x12e: {  	[sflag:s10] =	ssyncset.done $0x0;
	s15 =	rddreg [dreg:$0xa]  }
0x12f: {  	s7 =	rddreg [dreg:$0xd];
	[sflag:s10] =	ssyncadd.s32 $0xFFFFF600  }
0x130: {  	[hbm:s15], [sflag:s9] =	dma.local [spmem:s7], $0x500  }
0x131: {  	_ =	swait.ge [sflag:s10], $0x500  }
0x132: {  	s11 =	rddreg [dreg:$0xe]  }
0x133: {  	s16 =	rddreg [dreg:$0xb];
	s11 =	sadd.s32 $0x1, s11  }
0x134: {  	p2 =	sne.s32 s11, s16  }
.Ltmp3:
0x135: {  	_ = 	snop;
	(pc) =	sbr.rel @p2 .LBB2_1-.Ltmp3, $3  }
0x136: {  	_ =	sdelay $0x1  }
0x137: {  	[sflag:s10] =	ssyncset.done $0x0  }
0x138: {  	[sflag:s10] =	ssyncadd.s32 $0xFFFFFB00  }
0x139: {  	_ =	sfence.sel $0x180000  }
0x13a: {  	[bflag:$0x0] =	sbarrier.arrive $0xFFFF  }
0x13b: {  	_ =	strace $0x90000047  }
0x13c: {  	s0 =	stileid.u32;
	[bflag:$0x2] =	sbarrier.arrive $0xFFFF  }
0x13d: {  	p0 =	sne.s32 s0, $0x0;
	s0 =	rddreg [dreg:$0x3]  }
0x13e: {  	s0 =	sadd.s32 @!p0 $0x100000, s0  }
0x13f: {  	[sflag:s0] =	ssyncadd.tile.s32 @!p0 $0x1;
	_ =	shalt  }
.Lfunc_end2:
_tile_overlayer_lowered:
.L_overlay_start_2:
0x140: {  	(tag) =	ssettag $0x2  }
0x141: {  	s0 =	rddreg [dreg:$0x0];
	s2 =	stileid.u32  }
0x142: {  	s1 =	rddreg [dreg:$0x1];
	p0 =	sne.s32 s2, $0x0  }
0x143: {  	s3 =	rddreg [dreg:$0x2];
	[bflag:$0x3] =	sbarrier.arrive $0xFFFF;
	s2 =	simm.s32 @!p0 $0x1C0E  }
0x144: {  	[timem:s3], [sflag:s2] =	dma.local @!p0 [hbm:s0], s1  }
0x145: {  	s0 =	simm.s32 @!p0 $0xE  }
0x146: {  	_ =	swait.ge @!p0 [sflag:s0], s1  }
0x147: {  	s1 =	ssub.s32 @!p0 $0x0, s1;
	[sflag:s0] =	ssyncset.done @!p0 $0x0  }
0x148: {  	[sflag:s0] =	ssyncadd.s32 @!p0 s1  }
0x149: {  	[bflag:$0x3] =	sbarrier.arrive $0xFFFF  }
0x14a: {  	_ =	shalt  }

</sc_bundles>
